<compile_context>
chip_gen: v7x
topology: tpu7x:2x2x1
jax: 0.10.2.dev20260603
libtpu: 0.0.44.dev20260713+nightly
codegen_flags: <defaults>
</compile_context>

<pallas_src>
import functools
import math

import jax
import jax.numpy as jnp
from jax import lax
from jax.experimental import pallas as pl
from jax.experimental.pallas import tpu as pltpu
from jax.experimental.pallas import tpu_sc as plsc

NUM_CODES = 8192
CODE_DIM = 256
B = 16384
EPS = 1e-08
COMMITMENT_COST = 0.3
DIVERSITY_WEIGHT = 0.001

TB = 1024
N_TB = B // TB
CHUNK = 2048
N_CH = NUM_CODES // CHUNK


def _argmax_body(z_ref, emb_ref, idx_ref):
    z = z_ref[...]
    sim = lax.dot_general(
        z, emb_ref[...],
        (((1,), (1,)), ((), ())),
        preferred_element_type=jnp.float32,
    )
    idx_ref[0, 0, :] = jnp.argmax(sim, axis=1).astype(jnp.int32)


def _argmax_call(z, emb):
    return pl.pallas_call(
        _argmax_body,
        grid=(N_TB,),
        in_specs=[
            pl.BlockSpec((TB, CODE_DIM), lambda i: (i, 0)),
            pl.BlockSpec((NUM_CODES, CODE_DIM), lambda i: (0, 0)),
        ],
        out_specs=pl.BlockSpec((1, 1, TB), lambda i: (i, 0, 0)),
        out_shape=jax.ShapeDtypeStruct((N_TB, 1, TB), jnp.int32),
        compiler_params=pltpu.CompilerParams(
            dimension_semantics=("arbitrary",)),
    )(z, emb)


NC = 2
NS = 16
NW = NC * NS
BPW = B // NW
GCH = 128
NG = BPW // GCH

def _sc_body(emb_hbm, idx_hbm, zq_hbm, cnt_hbm,
             idx2d, rows0, rows1, ones_v, cvmem, cshared,
             sem0, sem1, sem2, sem3):
    cid = lax.axis_index("c")
    sid = lax.axis_index("s")
    wid = sid * NC + cid
    base = wid * BPW

    for j in range(NG):
        pltpu.sync_copy(idx_hbm.at[pl.ds(base + j * GCH, GCH)], idx2d.at[j])

    @pl.when(sid == 0)
    def _():
        def zeroloop(k, carry):
            cvmem[pl.ds(k * 16, 16)] = jnp.zeros((16,), jnp.float32)
            return carry
        lax.fori_loop(0, NUM_CODES // 16, zeroloop, 0)
        pltpu.sync_copy(cvmem, cshared)

    for k in range(GCH // 16):
        ones_v[pl.ds(k * 16, 16)] = jnp.ones((16,), jnp.float32)

    plsc.subcore_barrier()

    bufs = (rows0, rows1)
    gsems = (sem0, sem1)
    osems = (sem2, sem3)
    out_cp = [None, None]
    cp_cur = pltpu.async_copy(emb_hbm.at[idx2d.at[0]], bufs[0], gsems[0])
    for j in range(NG):
        nxt = (j + 1) % 2
        if j + 1 < NG:
            if out_cp[nxt] is not None:
                out_cp[nxt].wait()
                out_cp[nxt] = None
            cp_nxt = pltpu.async_copy(emb_hbm.at[idx2d.at[j + 1]],
                                      bufs[nxt], gsems[nxt])
        cp_cur.wait()
        out_cp[j % 2] = pltpu.async_copy(
            bufs[j % 2], zq_hbm.at[pl.ds(base + j * GCH, GCH)], osems[j % 2])
        pltpu.sync_copy(ones_v, cshared.at[idx2d.at[j]], add=True)
        if j + 1 < NG:
            cp_cur = cp_nxt
    for b in range(2):
        if out_cp[b] is not None:
            out_cp[b].wait()

    plsc.subcore_barrier()

    @pl.when(sid == 0)
    def _():
        pltpu.sync_copy(cshared, cvmem)
        pltpu.sync_copy(cvmem, cnt_hbm.at[cid])


@functools.cache
def _sc_gather_fn():
    mesh = plsc.VectorSubcoreMesh(core_axis_name="c", subcore_axis_name="s")
    return pl.kernel(
        _sc_body,
        mesh=mesh,
        out_type=[
            jax.ShapeDtypeStruct((B, CODE_DIM), jnp.float32),
            jax.ShapeDtypeStruct((NC, NUM_CODES), jnp.float32),
        ],
        scratch_types=[
            pltpu.VMEM((NG, GCH), jnp.int32),
            pltpu.VMEM((GCH, CODE_DIM), jnp.float32),
            pltpu.VMEM((GCH, CODE_DIM), jnp.float32),
            pltpu.VMEM((GCH,), jnp.float32),
            pltpu.VMEM((NUM_CODES,), jnp.float32),
            pltpu.VMEM_SHARED((NUM_CODES,), jnp.float32),
            pltpu.SemaphoreType.DMA,
            pltpu.SemaphoreType.DMA,
            pltpu.SemaphoreType.DMA,
            pltpu.SemaphoreType.DMA,
        ],
    )


RB = 2048
N_RB = B // RB
_MAX_ENT = math.log(float(NUM_CODES))


def _loss_body(z_ref, zq_ref, cnt_ref, out_ref, acc):
    i = pl.program_id(0)

    @pl.when(i == 0)
    def _():
        acc[0] = 0.0

    d = z_ref[...] - zq_ref[...]
    acc[0] += jnp.sum(d * d)

    @pl.when(i == N_RB - 1)
    def _():
        counts = cnt_ref[0:1, :] + cnt_ref[1:2, :]
        total = jnp.sum(counts)
        probs = counts / total
        ent = -jnp.sum(probs * jnp.log(probs + 1e-10), axis=1, keepdims=True)
        perp = jnp.exp(ent)
        div = (_MAX_ENT - ent) / _MAX_ENT
        mse = jnp.full((1, 1), acc[0] / (B * CODE_DIM), jnp.float32)
        vq = mse * COMMITMENT_COST + mse + DIVERSITY_WEIGHT * div
        col = lax.broadcasted_iota(jnp.int32, (1, 128), 1)
        row = (jnp.where(col == 0, vq, 0.0)
               + jnp.where(col == 1, perp, 0.0)
               + jnp.where(col == 2, div, 0.0))
        out_ref[...] = row


def _loss_call(z, z_q, cnt2):
    return pl.pallas_call(
        _loss_body,
        grid=(N_RB,),
        in_specs=[
            pl.BlockSpec((RB, CODE_DIM), lambda i: (i, 0)),
            pl.BlockSpec((RB, CODE_DIM), lambda i: (i, 0)),
            pl.BlockSpec((NC, NUM_CODES), lambda i: (0, 0)),
        ],
        out_specs=pl.BlockSpec((1, 128), lambda i: (0, 0)),
        out_shape=jax.ShapeDtypeStruct((1, 128), jnp.float32),
        scratch_shapes=[pltpu.SMEM((1,), jnp.float32)],
        compiler_params=pltpu.CompilerParams(
            dimension_semantics=("arbitrary",)),
    )(z, z_q, cnt2)


def kernel(z, embedding):
    nz = jnp.linalg.norm(z, axis=1, keepdims=True)
    z_n = z / (nz + EPS)
    emb_n = embedding / (jnp.linalg.norm(embedding, axis=1, keepdims=True) + EPS)
    z_nb = z_n.astype(jnp.bfloat16)
    idx3 = _argmax_call(z_nb, emb_n.astype(jnp.bfloat16))
    indices = idx3.reshape(B)
    z_q, cnt2 = _sc_gather_fn()(embedding, indices)
    s = _loss_call(z, z_q, cnt2)
    return (z_q, s[0, 0], s[0, 1], indices, s[0, 2])

# --- scband reference (transcript-rebuilt; emitter-appended) ---
"""Pipeline reference for scband-vector-quantizer-ema-24369644437759 (READ-ONLY COPY).

The authoritative reference and input builder live on the scoring server;
editing this copy changes nothing except your own understanding.
"""

import jax, jax.numpy as jnp
import numpy as np

NUM_CODES = 8192
CODE_DIM = 256
B = 16384
EPS = 1e-08
COMMITMENT_COST = 0.3
DIVERSITY_WEIGHT = 0.001


def setup_inputs(seed: int = 0) -> dict:
    key = jax.random.key(seed)
    kz, ke = jax.random.split(key)
    z = jax.random.normal(kz, (B, CODE_DIM), dtype=jnp.float32)
    emb = jax.random.normal(ke, (NUM_CODES, CODE_DIM), dtype=jnp.float32)
    emb = emb / (jnp.linalg.norm(emb, axis=1, keepdims=True) + EPS)
    return {"z": z, "embedding": emb}


def reference(z, embedding):
    # Eval-mode forward of VectorQuantizerEMA (EMA buffer updates are
    # training-only, in-place, non-differentiable -> skipped).
    num_codes = embedding.shape[0]
    z_norm = z / (jnp.linalg.norm(z, axis=1, keepdims=True) + EPS)
    emb_norm = embedding / (jnp.linalg.norm(embedding, axis=1, keepdims=True) + EPS)
    similarities = z_norm @ emb_norm.T
    indices = jnp.argmax(similarities, axis=1)
    z_q = jnp.take(embedding, indices, axis=0)
    commitment_loss = jnp.mean((z - jax.lax.stop_gradient(z_q)) ** 2)
    embedding_loss = jnp.mean((jax.lax.stop_gradient(z) - z_q) ** 2)
    counts = jnp.bincount(indices, length=num_codes).astype(jnp.float32)
    probs = counts / jnp.sum(counts)
    entropy = -jnp.sum(probs * jnp.log(probs + 1e-10))
    max_entropy = jnp.log(jnp.float32(num_codes))
    diversity_loss = (max_entropy - entropy) / max_entropy
    vq_loss = commitment_loss * COMMITMENT_COST + embedding_loss + DIVERSITY_WEIGHT * diversity_loss
    z_q_st = z + jax.lax.stop_gradient(z_q - z)
    # avg_probs == mean of one-hot encodings == counts / B (same math, no BxK one-hot materialized)
    avg_probs = counts / jnp.float32(z.shape[0])
    perplexity = jnp.exp(-jnp.sum(avg_probs * jnp.log(avg_probs + 1e-10)))
    return (z_q_st, vq_loss, perplexity, indices, diversity_loss)

if __name__ == "__main__":
    import jax
    _d = setup_inputs()
    print(jax.jit(kernel)(*tuple(_d.values())))

</pallas_src>

<mosaic_0001>
#map = affine_map<(d0, d1) -> (0, 0)>
#map1 = affine_map<(d0, d1) -> (0)>
module attributes {stable_mosaic.version = 14 : i64} {
  func.func @_sc_body(%arg0: i32, %arg1: i32, %arg2: memref<8192x256xf32, #tpu.memory_space<hbm>>, %arg3: memref<16384xi32, #tpu.memory_space<hbm>>, %arg4: memref<16384x256xf32, #tpu.memory_space<hbm>>, %arg5: memref<2x8192xf32, #tpu.memory_space<hbm>>, %arg6: memref<4x128xi32, #tpu.memory_space<vmem>>, %arg7: memref<128x256xf32, #tpu.memory_space<vmem>>, %arg8: memref<128x256xf32, #tpu.memory_space<vmem>>, %arg9: memref<128xf32, #tpu.memory_space<vmem>>, %arg10: memref<8192xf32, #tpu.memory_space<vmem>>, %arg11: memref<8192xf32, #tpu.memory_space<vmem_shared>>, %arg12: memref<!tpu.dma_semaphore, #tpu.memory_space<semaphore_mem>>, %arg13: memref<!tpu.dma_semaphore, #tpu.memory_space<semaphore_mem>>, %arg14: memref<!tpu.dma_semaphore, #tpu.memory_space<semaphore_mem>>, %arg15: memref<!tpu.dma_semaphore, #tpu.memory_space<semaphore_mem>>) attributes {dimension_semantics = [#tpu.dimension_semantics<core_parallel>, #tpu.dimension_semantics<subcore_parallel>], iteration_bounds = array<i64: 2, 16>, scalar_prefetch = 0 : i64, scratch_operands = 10 : i64, tpu.core_type = #tpu.core_type<sc_vector_subcore>, window_params = [{transform_indices = #map}, {transform_indices = #map1}, {transform_indices = #map}, {transform_indices = #map}]} {
    %mul3A = arith.constant 2 : i32
    %mul3A_0 = arith.muli %arg1, %mul3A : i32
    %add3A = arith.addi %mul3A_0, %arg0 : i32
    %mul3A_1 = arith.constant 512 : i32
    %mul3A_2 = arith.muli %add3A, %mul3A_1 : i32
    %add3A_3 = arith.constant 0 : i32
    %add3A_4 = arith.addi %mul3A_2, %add3A_3 : i32
    %run_scoped3A = arith.constant 0 : i32
    "tpu.region"() ({
      %run_scoped3A_166 = tpu.sem_alloc : memref<!tpu.dma_semaphore, #tpu.memory_space<semaphore_mem>>
      %dma_start3A_167 = arith.constant 0 : i32
      %dma_start3A_168 = tpu.memref_slice %arg6[%run_scoped3A, %dma_start3A_167] : memref<4x128xi32, #tpu.memory_space<vmem>> -> memref<1x128xi32, #tpu.memory_space<vmem>>
      %dma_start3A_169 = tpu.memref_squeeze %dma_start3A_168 : memref<1x128xi32, #tpu.memory_space<vmem>> -> memref<128xi32, #tpu.memory_space<vmem>>
      %dma_start3A_170 = tpu.memref_slice %arg3[%add3A_4] : memref<16384xi32, #tpu.memory_space<hbm>> -> memref<128xi32, #tpu.memory_space<hbm>>
      %dma_start3A_171 = arith.constant 0 : i32
      %dma_start3A_172 = tpu.memref_slice %arg6[%run_scoped3A, %dma_start3A_171] : memref<4x128xi32, #tpu.memory_space<vmem>> -> memref<1x128xi32, #tpu.memory_space<vmem>>
      %dma_start3A_173 = tpu.memref_squeeze %dma_start3A_172 : memref<1x128xi32, #tpu.memory_space<vmem>> -> memref<128xi32, #tpu.memory_space<vmem>>
      %dma_start3A_174 = tpu.memref_slice %arg3[%add3A_4] : memref<16384xi32, #tpu.memory_space<hbm>> -> memref<128xi32, #tpu.memory_space<hbm>>
      tpu.enqueue_dma source(%dma_start3A_174 : memref<128xi32, #tpu.memory_space<hbm>>) target(%dma_start3A_173 : memref<128xi32, #tpu.memory_space<vmem>>) target_semaphore(%run_scoped3A_166 : memref<!tpu.dma_semaphore, #tpu.memory_space<semaphore_mem>>)
      %dma_wait3A_175 = arith.constant 0 : i32
      %dma_wait3A_176 = tpu.memref_slice %arg6[%run_scoped3A, %dma_wait3A_175] : memref<4x128xi32, #tpu.memory_space<vmem>> -> memref<1x128xi32, #tpu.memory_space<vmem>>
      %dma_wait3A_177 = tpu.memref_squeeze %dma_wait3A_176 : memref<1x128xi32, #tpu.memory_space<vmem>> -> memref<128xi32, #tpu.memory_space<vmem>>
      %dma_wait3A_178 = tpu.memref_slice %arg3[%add3A_4] : memref<16384xi32, #tpu.memory_space<hbm>> -> memref<128xi32, #tpu.memory_space<hbm>>
      %dma_wait3A_179 = arith.constant 0 : i32
      %dma_wait3A_180 = tpu.memref_slice %arg6[%run_scoped3A, %dma_wait3A_179] : memref<4x128xi32, #tpu.memory_space<vmem>> -> memref<1x128xi32, #tpu.memory_space<vmem>>
      %dma_wait3A_181 = tpu.memref_squeeze %dma_wait3A_180 : memref<1x128xi32, #tpu.memory_space<vmem>> -> memref<128xi32, #tpu.memory_space<vmem>>
      %dma_wait3A_182 = tpu.memref_slice %arg3[%add3A_4] : memref<16384xi32, #tpu.memory_space<hbm>> -> memref<128xi32, #tpu.memory_space<hbm>>
      tpu.wait_dma2 semaphore(%run_scoped3A_166 : memref<!tpu.dma_semaphore, #tpu.memory_space<semaphore_mem>>) src(%dma_wait3A_182 : memref<128xi32, #tpu.memory_space<hbm>>) dst(%dma_wait3A_181 : memref<128xi32, #tpu.memory_space<vmem>>)
      tpu.yield
    }) : () -> ()
    %add3A_5 = arith.constant 128 : i32
    %add3A_6 = arith.addi %mul3A_2, %add3A_5 : i32
    %run_scoped3A_7 = arith.constant 1 : i32
    "tpu.region"() ({
      %run_scoped3A_166 = tpu.sem_alloc : memref<!tpu.dma_semaphore, #tpu.memory_space<semaphore_mem>>
      %dma_start3A_167 = arith.constant 0 : i32
      %dma_start3A_168 = tpu.memref_slice %arg6[%run_scoped3A_7, %dma_start3A_167] : memref<4x128xi32, #tpu.memory_space<vmem>> -> memref<1x128xi32, #tpu.memory_space<vmem>>
      %dma_start3A_169 = tpu.memref_squeeze %dma_start3A_168 : memref<1x128xi32, #tpu.memory_space<vmem>> -> memref<128xi32, #tpu.memory_space<vmem>>
      %dma_start3A_170 = tpu.memref_slice %arg3[%add3A_6] : memref<16384xi32, #tpu.memory_space<hbm>> -> memref<128xi32, #tpu.memory_space<hbm>>
      %dma_start3A_171 = arith.constant 0 : i32
      %dma_start3A_172 = tpu.memref_slice %arg6[%run_scoped3A_7, %dma_start3A_171] : memref<4x128xi32, #tpu.memory_space<vmem>> -> memref<1x128xi32, #tpu.memory_space<vmem>>
      %dma_start3A_173 = tpu.memref_squeeze %dma_start3A_172 : memref<1x128xi32, #tpu.memory_space<vmem>> -> memref<128xi32, #tpu.memory_space<vmem>>
      %dma_start3A_174 = tpu.memref_slice %arg3[%add3A_6] : memref<16384xi32, #tpu.memory_space<hbm>> -> memref<128xi32, #tpu.memory_space<hbm>>
      tpu.enqueue_dma source(%dma_start3A_174 : memref<128xi32, #tpu.memory_space<hbm>>) target(%dma_start3A_173 : memref<128xi32, #tpu.memory_space<vmem>>) target_semaphore(%run_scoped3A_166 : memref<!tpu.dma_semaphore, #tpu.memory_space<semaphore_mem>>)
      %dma_wait3A_175 = arith.constant 0 : i32
      %dma_wait3A_176 = tpu.memref_slice %arg6[%run_scoped3A_7, %dma_wait3A_175] : memref<4x128xi32, #tpu.memory_space<vmem>> -> memref<1x128xi32, #tpu.memory_space<vmem>>
      %dma_wait3A_177 = tpu.memref_squeeze %dma_wait3A_176 : memref<1x128xi32, #tpu.memory_space<vmem>> -> memref<128xi32, #tpu.memory_space<vmem>>
      %dma_wait3A_178 = tpu.memref_slice %arg3[%add3A_6] : memref<16384xi32, #tpu.memory_space<hbm>> -> memref<128xi32, #tpu.memory_space<hbm>>
      %dma_wait3A_179 = arith.constant 0 : i32
      %dma_wait3A_180 = tpu.memref_slice %arg6[%run_scoped3A_7, %dma_wait3A_179] : memref<4x128xi32, #tpu.memory_space<vmem>> -> memref<1x128xi32, #tpu.memory_space<vmem>>
      %dma_wait3A_181 = tpu.memref_squeeze %dma_wait3A_180 : memref<1x128xi32, #tpu.memory_space<vmem>> -> memref<128xi32, #tpu.memory_space<vmem>>
      %dma_wait3A_182 = tpu.memref_slice %arg3[%add3A_6] : memref<16384xi32, #tpu.memory_space<hbm>> -> memref<128xi32, #tpu.memory_space<hbm>>
      tpu.wait_dma2 semaphore(%run_scoped3A_166 : memref<!tpu.dma_semaphore, #tpu.memory_space<semaphore_mem>>) src(%dma_wait3A_182 : memref<128xi32, #tpu.memory_space<hbm>>) dst(%dma_wait3A_181 : memref<128xi32, #tpu.memory_space<vmem>>)
      tpu.yield
    }) : () -> ()
    %add3A_8 = arith.constant 256 : i32
    %add3A_9 = arith.addi %mul3A_2, %add3A_8 : i32
    %run_scoped3A_10 = arith.constant 2 : i32
    "tpu.region"() ({
      %run_scoped3A_166 = tpu.sem_alloc : memref<!tpu.dma_semaphore, #tpu.memory_space<semaphore_mem>>
      %dma_start3A_167 = arith.constant 0 : i32
      %dma_start3A_168 = tpu.memref_slice %arg6[%run_scoped3A_10, %dma_start3A_167] : memref<4x128xi32, #tpu.memory_space<vmem>> -> memref<1x128xi32, #tpu.memory_space<vmem>>
      %dma_start3A_169 = tpu.memref_squeeze %dma_start3A_168 : memref<1x128xi32, #tpu.memory_space<vmem>> -> memref<128xi32, #tpu.memory_space<vmem>>
      %dma_start3A_170 = tpu.memref_slice %arg3[%add3A_9] : memref<16384xi32, #tpu.memory_space<hbm>> -> memref<128xi32, #tpu.memory_space<hbm>>
      %dma_start3A_171 = arith.constant 0 : i32
      %dma_start3A_172 = tpu.memref_slice %arg6[%run_scoped3A_10, %dma_start3A_171] : memref<4x128xi32, #tpu.memory_space<vmem>> -> memref<1x128xi32, #tpu.memory_space<vmem>>
      %dma_start3A_173 = tpu.memref_squeeze %dma_start3A_172 : memref<1x128xi32, #tpu.memory_space<vmem>> -> memref<128xi32, #tpu.memory_space<vmem>>
      %dma_start3A_174 = tpu.memref_slice %arg3[%add3A_9] : memref<16384xi32, #tpu.memory_space<hbm>> -> memref<128xi32, #tpu.memory_space<hbm>>
      tpu.enqueue_dma source(%dma_start3A_174 : memref<128xi32, #tpu.memory_space<hbm>>) target(%dma_start3A_173 : memref<128xi32, #tpu.memory_space<vmem>>) target_semaphore(%run_scoped3A_166 : memref<!tpu.dma_semaphore, #tpu.memory_space<semaphore_mem>>)
      %dma_wait3A_175 = arith.constant 0 : i32
      %dma_wait3A_176 = tpu.memref_slice %arg6[%run_scoped3A_10, %dma_wait3A_175] : memref<4x128xi32, #tpu.memory_space<vmem>> -> memref<1x128xi32, #tpu.memory_space<vmem>>
      %dma_wait3A_177 = tpu.memref_squeeze %dma_wait3A_176 : memref<1x128xi32, #tpu.memory_space<vmem>> -> memref<128xi32, #tpu.memory_space<vmem>>
      %dma_wait3A_178 = tpu.memref_slice %arg3[%add3A_9] : memref<16384xi32, #tpu.memory_space<hbm>> -> memref<128xi32, #tpu.memory_space<hbm>>
      %dma_wait3A_179 = arith.constant 0 : i32
      %dma_wait3A_180 = tpu.memref_slice %arg6[%run_scoped3A_10, %dma_wait3A_179] : memref<4x128xi32, #tpu.memory_space<vmem>> -> memref<1x128xi32, #tpu.memory_space<vmem>>
      %dma_wait3A_181 = tpu.memref_squeeze %dma_wait3A_180 : memref<1x128xi32, #tpu.memory_space<vmem>> -> memref<128xi32, #tpu.memory_space<vmem>>
      %dma_wait3A_182 = tpu.memref_slice %arg3[%add3A_9] : memref<16384xi32, #tpu.memory_space<hbm>> -> memref<128xi32, #tpu.memory_space<hbm>>
      tpu.wait_dma2 semaphore(%run_scoped3A_166 : memref<!tpu.dma_semaphore, #tpu.memory_space<semaphore_mem>>) src(%dma_wait3A_182 : memref<128xi32, #tpu.memory_space<hbm>>) dst(%dma_wait3A_181 : memref<128xi32, #tpu.memory_space<vmem>>)
      tpu.yield
    }) : () -> ()
    %add3A_11 = arith.constant 384 : i32
    %add3A_12 = arith.addi %mul3A_2, %add3A_11 : i32
    %run_scoped3A_13 = arith.constant 3 : i32
    "tpu.region"() ({
      %run_scoped3A_166 = tpu.sem_alloc : memref<!tpu.dma_semaphore, #tpu.memory_space<semaphore_mem>>
      %dma_start3A_167 = arith.constant 0 : i32
      %dma_start3A_168 = tpu.memref_slice %arg6[%run_scoped3A_13, %dma_start3A_167] : memref<4x128xi32, #tpu.memory_space<vmem>> -> memref<1x128xi32, #tpu.memory_space<vmem>>
      %dma_start3A_169 = tpu.memref_squeeze %dma_start3A_168 : memref<1x128xi32, #tpu.memory_space<vmem>> -> memref<128xi32, #tpu.memory_space<vmem>>
      %dma_start3A_170 = tpu.memref_slice %arg3[%add3A_12] : memref<16384xi32, #tpu.memory_space<hbm>> -> memref<128xi32, #tpu.memory_space<hbm>>
      %dma_start3A_171 = arith.constant 0 : i32
      %dma_start3A_172 = tpu.memref_slice %arg6[%run_scoped3A_13, %dma_start3A_171] : memref<4x128xi32, #tpu.memory_space<vmem>> -> memref<1x128xi32, #tpu.memory_space<vmem>>
      %dma_start3A_173 = tpu.memref_squeeze %dma_start3A_172 : memref<1x128xi32, #tpu.memory_space<vmem>> -> memref<128xi32, #tpu.memory_space<vmem>>
      %dma_start3A_174 = tpu.memref_slice %arg3[%add3A_12] : memref<16384xi32, #tpu.memory_space<hbm>> -> memref<128xi32, #tpu.memory_space<hbm>>
      tpu.enqueue_dma source(%dma_start3A_174 : memref<128xi32, #tpu.memory_space<hbm>>) target(%dma_start3A_173 : memref<128xi32, #tpu.memory_space<vmem>>) target_semaphore(%run_scoped3A_166 : memref<!tpu.dma_semaphore, #tpu.memory_space<semaphore_mem>>)
      %dma_wait3A_175 = arith.constant 0 : i32
      %dma_wait3A_176 = tpu.memref_slice %arg6[%run_scoped3A_13, %dma_wait3A_175] : memref<4x128xi32, #tpu.memory_space<vmem>> -> memref<1x128xi32, #tpu.memory_space<vmem>>
      %dma_wait3A_177 = tpu.memref_squeeze %dma_wait3A_176 : memref<1x128xi32, #tpu.memory_space<vmem>> -> memref<128xi32, #tpu.memory_space<vmem>>
      %dma_wait3A_178 = tpu.memref_slice %arg3[%add3A_12] : memref<16384xi32, #tpu.memory_space<hbm>> -> memref<128xi32, #tpu.memory_space<hbm>>
      %dma_wait3A_179 = arith.constant 0 : i32
      %dma_wait3A_180 = tpu.memref_slice %arg6[%run_scoped3A_13, %dma_wait3A_179] : memref<4x128xi32, #tpu.memory_space<vmem>> -> memref<1x128xi32, #tpu.memory_space<vmem>>
      %dma_wait3A_181 = tpu.memref_squeeze %dma_wait3A_180 : memref<1x128xi32, #tpu.memory_space<vmem>> -> memref<128xi32, #tpu.memory_space<vmem>>
      %dma_wait3A_182 = tpu.memref_slice %arg3[%add3A_12] : memref<16384xi32, #tpu.memory_space<hbm>> -> memref<128xi32, #tpu.memory_space<hbm>>
      tpu.wait_dma2 semaphore(%run_scoped3A_166 : memref<!tpu.dma_semaphore, #tpu.memory_space<semaphore_mem>>) src(%dma_wait3A_182 : memref<128xi32, #tpu.memory_space<hbm>>) dst(%dma_wait3A_181 : memref<128xi32, #tpu.memory_space<vmem>>)
      tpu.yield
    }) : () -> ()
    %eq3A = arith.constant 0 : i32
    %eq3A_14 = arith.cmpi eq, %arg1, %eq3A : i32
    %convert_element_type3A = arith.extui %eq3A_14 : i1 to i32
    %cond3A = arith.constant 0 : i32
    %cond3A_15 = arith.cmpi ne, %convert_element_type3A, %cond3A : i32
    scf.if %cond3A_15 {
      %scan3A = arith.constant 0 : i32
      %scan3A_166 = arith.constant 0 : i32
      %scan3A_167 = arith.constant 512 : i32
      %scan3A_168 = arith.addi %scan3A_166, %scan3A_167 : i32
      %scan3A_169 = arith.constant 1 : i32
      scf.for %scan3A_171 = %scan3A_166 to %scan3A_168 step %scan3A_169  : i32 {
        %broadcast_in_dim3A_172 = arith.constant 0.000000e+00 : f32
        %broadcast_in_dim3A_173 = vector.broadcast %broadcast_in_dim3A_172 : f32 to vector<16xf32>
        %mul3A_174 = arith.constant 16 : i32
        %mul3A_175 = arith.muli %scan3A_171, %mul3A_174 : i32
        %swap3A_176 = arith.index_cast %mul3A_175 : i32 to index
        %swap3A_177 = tpu.vector_load %arg10[%swap3A_176] {strides = array<i32>} : memref<8192xf32, #tpu.memory_space<vmem>>, vector<16xf32>,
        %swap3A_178 = vector.shape_cast %swap3A_177 : vector<16xf32> to vector<16xf32>
        %swap3A_179 = vector.shape_cast %broadcast_in_dim3A_173 : vector<16xf32> to vector<16xf32>
        tpu.vector_store %arg10[%swap3A_176], %swap3A_179 {strides = array<i32>} : memref<8192xf32, #tpu.memory_space<vmem>>, vector<16xf32>,
      }
      %scan3A_170 = arith.constant 512 : i32
      "tpu.region"() ({
        %run_scoped3A_171 = tpu.sem_alloc : memref<!tpu.dma_semaphore, #tpu.memory_space<semaphore_mem>>
        tpu.enqueue_dma source(%arg10 : memref<8192xf32, #tpu.memory_space<vmem>>) target(%arg11 : memref<8192xf32, #tpu.memory_space<vmem_shared>>) target_semaphore(%run_scoped3A_171 : memref<!tpu.dma_semaphore, #tpu.memory_space<semaphore_mem>>)
        tpu.wait_dma2 semaphore(%run_scoped3A_171 : memref<!tpu.dma_semaphore, #tpu.memory_space<semaphore_mem>>) src(%arg10 : memref<8192xf32, #tpu.memory_space<vmem>>) dst(%arg11 : memref<8192xf32, #tpu.memory_space<vmem_shared>>)
        tpu.yield
      }) : () -> ()
    } else {
    }
    %broadcast_in_dim3A = arith.constant 1.000000e+00 : f32
    %broadcast_in_dim3A_16 = vector.broadcast %broadcast_in_dim3A : f32 to vector<16xf32>
    %swap3A = arith.constant 0 : index
    %swap3A_17 = tpu.vector_load %arg9[%swap3A] {strides = array<i32>} : memref<128xf32, #tpu.memory_space<vmem>>, vector<16xf32>,
    %swap3A_18 = vector.shape_cast %swap3A_17 : vector<16xf32> to vector<16xf32>
    %swap3A_19 = vector.shape_cast %broadcast_in_dim3A_16 : vector<16xf32> to vector<16xf32>
    tpu.vector_store %arg9[%swap3A], %swap3A_19 {strides = array<i32>} : memref<128xf32, #tpu.memory_space<vmem>>, vector<16xf32>,
    %broadcast_in_dim3A_20 = arith.constant 1.000000e+00 : f32
    %broadcast_in_dim3A_21 = vector.broadcast %broadcast_in_dim3A_20 : f32 to vector<16xf32>
    %swap3A_22 = arith.constant 16 : index
    %swap3A_23 = tpu.vector_load %arg9[%swap3A_22] {strides = array<i32>} : memref<128xf32, #tpu.memory_space<vmem>>, vector<16xf32>,
    %swap3A_24 = vector.shape_cast %swap3A_23 : vector<16xf32> to vector<16xf32>
    %swap3A_25 = vector.shape_cast %broadcast_in_dim3A_21 : vector<16xf32> to vector<16xf32>
    tpu.vector_store %arg9[%swap3A_22], %swap3A_25 {strides = array<i32>} : memref<128xf32, #tpu.memory_space<vmem>>, vector<16xf32>,
    %broadcast_in_dim3A_26 = arith.constant 1.000000e+00 : f32
    %broadcast_in_dim3A_27 = vector.broadcast %broadcast_in_dim3A_26 : f32 to vector<16xf32>
    %swap3A_28 = arith.constant 32 : index
    %swap3A_29 = tpu.vector_load %arg9[%swap3A_28] {strides = array<i32>} : memref<128xf32, #tpu.memory_space<vmem>>, vector<16xf32>,
    %swap3A_30 = vector.shape_cast %swap3A_29 : vector<16xf32> to vector<16xf32>
    %swap3A_31 = vector.shape_cast %broadcast_in_dim3A_27 : vector<16xf32> to vector<16xf32>
    tpu.vector_store %arg9[%swap3A_28], %swap3A_31 {strides = array<i32>} : memref<128xf32, #tpu.memory_space<vmem>>, vector<16xf32>,
    %broadcast_in_dim3A_32 = arith.constant 1.000000e+00 : f32
    %broadcast_in_dim3A_33 = vector.broadcast %broadcast_in_dim3A_32 : f32 to vector<16xf32>
    %swap3A_34 = arith.constant 48 : index
    %swap3A_35 = tpu.vector_load %arg9[%swap3A_34] {strides = array<i32>} : memref<128xf32, #tpu.memory_space<vmem>>, vector<16xf32>,
    %swap3A_36 = vector.shape_cast %swap3A_35 : vector<16xf32> to vector<16xf32>
    %swap3A_37 = vector.shape_cast %broadcast_in_dim3A_33 : vector<16xf32> to vector<16xf32>
    tpu.vector_store %arg9[%swap3A_34], %swap3A_37 {strides = array<i32>} : memref<128xf32, #tpu.memory_space<vmem>>, vector<16xf32>,
    %broadcast_in_dim3A_38 = arith.constant 1.000000e+00 : f32
    %broadcast_in_dim3A_39 = vector.broadcast %broadcast_in_dim3A_38 : f32 to vector<16xf32>
    %swap3A_40 = arith.constant 64 : index
    %swap3A_41 = tpu.vector_load %arg9[%swap3A_40] {strides = array<i32>} : memref<128xf32, #tpu.memory_space<vmem>>, vector<16xf32>,
    %swap3A_42 = vector.shape_cast %swap3A_41 : vector<16xf32> to vector<16xf32>
    %swap3A_43 = vector.shape_cast %broadcast_in_dim3A_39 : vector<16xf32> to vector<16xf32>
    tpu.vector_store %arg9[%swap3A_40], %swap3A_43 {strides = array<i32>} : memref<128xf32, #tpu.memory_space<vmem>>, vector<16xf32>,
    %broadcast_in_dim3A_44 = arith.constant 1.000000e+00 : f32
    %broadcast_in_dim3A_45 = vector.broadcast %broadcast_in_dim3A_44 : f32 to vector<16xf32>
    %swap3A_46 = arith.constant 80 : index
    %swap3A_47 = tpu.vector_load %arg9[%swap3A_46] {strides = array<i32>} : memref<128xf32, #tpu.memory_space<vmem>>, vector<16xf32>,
    %swap3A_48 = vector.shape_cast %swap3A_47 : vector<16xf32> to vector<16xf32>
    %swap3A_49 = vector.shape_cast %broadcast_in_dim3A_45 : vector<16xf32> to vector<16xf32>
    tpu.vector_store %arg9[%swap3A_46], %swap3A_49 {strides = array<i32>} : memref<128xf32, #tpu.memory_space<vmem>>, vector<16xf32>,
    %broadcast_in_dim3A_50 = arith.constant 1.000000e+00 : f32
    %broadcast_in_dim3A_51 = vector.broadcast %broadcast_in_dim3A_50 : f32 to vector<16xf32>
    %swap3A_52 = arith.constant 96 : index
    %swap3A_53 = tpu.vector_load %arg9[%swap3A_52] {strides = array<i32>} : memref<128xf32, #tpu.memory_space<vmem>>, vector<16xf32>,
    %swap3A_54 = vector.shape_cast %swap3A_53 : vector<16xf32> to vector<16xf32>
    %swap3A_55 = vector.shape_cast %broadcast_in_dim3A_51 : vector<16xf32> to vector<16xf32>
    tpu.vector_store %arg9[%swap3A_52], %swap3A_55 {strides = array<i32>} : memref<128xf32, #tpu.memory_space<vmem>>, vector<16xf32>,
    %broadcast_in_dim3A_56 = arith.constant 1.000000e+00 : f32
    %broadcast_in_dim3A_57 = vector.broadcast %broadcast_in_dim3A_56 : f32 to vector<16xf32>
    %swap3A_58 = arith.constant 112 : index
    %swap3A_59 = tpu.vector_load %arg9[%swap3A_58] {strides = array<i32>} : memref<128xf32, #tpu.memory_space<vmem>>, vector<16xf32>,
    %swap3A_60 = vector.shape_cast %swap3A_59 : vector<16xf32> to vector<16xf32>
    %swap3A_61 = vector.shape_cast %broadcast_in_dim3A_57 : vector<16xf32> to vector<16xf32>
    tpu.vector_store %arg9[%swap3A_58], %swap3A_61 {strides = array<i32>} : memref<128xf32, #tpu.memory_space<vmem>>, vector<16xf32>,
    %barrier3A = arith.constant 0 : index
    tpu.barrier barrier_id(%barrier3A)
    %dma_start3A = arith.constant 0 : i32
    %dma_start3A_62 = arith.constant 0 : i32
    %dma_start3A_63 = tpu.memref_slice %arg6[%dma_start3A, %dma_start3A_62] : memref<4x128xi32, #tpu.memory_space<vmem>> -> memref<1x128xi32, #tpu.memory_space<vmem>>
    %dma_start3A_64 = tpu.memref_squeeze %dma_start3A_63 : memref<1x128xi32, #tpu.memory_space<vmem>> -> memref<128xi32, #tpu.memory_space<vmem>>
    %dma_start3A_65 = arith.constant 0 : i32
    %dma_start3A_66 = arith.constant 0 : i32
    %dma_start3A_67 = tpu.memref_slice %arg2[%dma_start3A_65, %dma_start3A_66] : memref<8192x256xf32, #tpu.memory_space<hbm>> -> memref<8192x256xf32, #tpu.memory_space<hbm>>
    tpu.enqueue_indirect_dma source(%dma_start3A_67 : memref<8192x256xf32, #tpu.memory_space<hbm>>) target(%arg7 : memref<128x256xf32, #tpu.memory_space<vmem>>) offsets(%dma_start3A_64 : memref<128xi32, #tpu.memory_space<vmem>>) semaphore(%arg12 : memref<!tpu.dma_semaphore, #tpu.memory_space<semaphore_mem>>)
    %dma_start3A_68 = arith.constant 1 : i32
    %dma_start3A_69 = arith.constant 0 : i32
    %dma_start3A_70 = tpu.memref_slice %arg6[%dma_start3A_68, %dma_start3A_69] : memref<4x128xi32, #tpu.memory_space<vmem>> -> memref<1x128xi32, #tpu.memory_space<vmem>>
    %dma_start3A_71 = tpu.memref_squeeze %dma_start3A_70 : memref<1x128xi32, #tpu.memory_space<vmem>> -> memref<128xi32, #tpu.memory_space<vmem>>
    %dma_start3A_72 = arith.constant 0 : i32
    %dma_start3A_73 = arith.constant 0 : i32
    %dma_start3A_74 = tpu.memref_slice %arg2[%dma_start3A_72, %dma_start3A_73] : memref<8192x256xf32, #tpu.memory_space<hbm>> -> memref<8192x256xf32, #tpu.memory_space<hbm>>
    tpu.enqueue_indirect_dma source(%dma_start3A_74 : memref<8192x256xf32, #tpu.memory_space<hbm>>) target(%arg8 : memref<128x256xf32, #tpu.memory_space<vmem>>) offsets(%dma_start3A_71 : memref<128xi32, #tpu.memory_space<vmem>>) semaphore(%arg13 : memref<!tpu.dma_semaphore, #tpu.memory_space<semaphore_mem>>)
    %dma_wait3A = arith.constant 0 : i32
    %dma_wait3A_75 = arith.constant 0 : i32
    %dma_wait3A_76 = tpu.memref_slice %arg6[%dma_wait3A, %dma_wait3A_75] : memref<4x128xi32, #tpu.memory_space<vmem>> -> memref<1x128xi32, #tpu.memory_space<vmem>>
    %dma_wait3A_77 = tpu.memref_squeeze %dma_wait3A_76 : memref<1x128xi32, #tpu.memory_space<vmem>> -> memref<128xi32, #tpu.memory_space<vmem>>
    %dma_wait3A_78 = arith.constant 0 : i32
    %dma_wait3A_79 = arith.constant 0 : i32
    %dma_wait3A_80 = tpu.memref_slice %arg2[%dma_wait3A_78, %dma_wait3A_79] : memref<8192x256xf32, #tpu.memory_space<hbm>> -> memref<8192x256xf32, #tpu.memory_space<hbm>>
    tpu.wait_indirect_dma semaphore(%arg12 : memref<!tpu.dma_semaphore, #tpu.memory_space<semaphore_mem>>) src(%dma_wait3A_80 : memref<8192x256xf32, #tpu.memory_space<hbm>>) dst(%arg7 : memref<128x256xf32, #tpu.memory_space<vmem>>)
    %add3A_81 = arith.constant 0 : i32
    %add3A_82 = arith.addi %mul3A_2, %add3A_81 : i32
    %dma_start3A_83 = arith.constant 0 : i32
    %dma_start3A_84 = tpu.memref_slice %arg4[%add3A_82, %dma_start3A_83] : memref<16384x256xf32, #tpu.memory_space<hbm>> -> memref<128x256xf32, #tpu.memory_space<hbm>>
    %dma_start3A_85 = arith.constant 0 : i32
    %dma_start3A_86 = tpu.memref_slice %arg4[%add3A_82, %dma_start3A_85] : memref<16384x256xf32, #tpu.memory_space<hbm>> -> memref<128x256xf32, #tpu.memory_space<hbm>>
    tpu.enqueue_dma source(%arg7 : memref<128x256xf32, #tpu.memory_space<vmem>>) target(%dma_start3A_86 : memref<128x256xf32, #tpu.memory_space<hbm>>) target_semaphore(%arg14 : memref<!tpu.dma_semaphore, #tpu.memory_space<semaphore_mem>>)
    %run_scoped3A_87 = arith.constant 0 : i32
    "tpu.region"() ({
      %run_scoped3A_166 = tpu.sem_alloc : memref<!tpu.dma_semaphore, #tpu.memory_space<semaphore_mem>>
      %dma_start3A_167 = arith.constant 0 : i32
      %dma_start3A_168 = tpu.memref_slice %arg6[%run_scoped3A_87, %dma_start3A_167] : memref<4x128xi32, #tpu.memory_space<vmem>> -> memref<1x128xi32, #tpu.memory_space<vmem>>
      %dma_start3A_169 = tpu.memref_squeeze %dma_start3A_168 : memref<1x128xi32, #tpu.memory_space<vmem>> -> memref<128xi32, #tpu.memory_space<vmem>>
      %dma_start3A_170 = arith.constant 0 : i32
      %dma_start3A_171 = tpu.memref_slice %arg11[%dma_start3A_170] : memref<8192xf32, #tpu.memory_space<vmem_shared>> -> memref<8192xf32, #tpu.memory_space<vmem_shared>>
      tpu.enqueue_indirect_dma source(%arg9 : memref<128xf32, #tpu.memory_space<vmem>>) target(%dma_start3A_171 : memref<8192xf32, #tpu.memory_space<vmem_shared>>) offsets(%dma_start3A_169 : memref<128xi32, #tpu.memory_space<vmem>>) semaphore(%run_scoped3A_166 : memref<!tpu.dma_semaphore, #tpu.memory_space<semaphore_mem>>) {add = true}
      %dma_wait3A_172 = arith.constant 0 : i32
      %dma_wait3A_173 = tpu.memref_slice %arg6[%run_scoped3A_87, %dma_wait3A_172] : memref<4x128xi32, #tpu.memory_space<vmem>> -> memref<1x128xi32, #tpu.memory_space<vmem>>
      %dma_wait3A_174 = tpu.memref_squeeze %dma_wait3A_173 : memref<1x128xi32, #tpu.memory_space<vmem>> -> memref<128xi32, #tpu.memory_space<vmem>>
      %dma_wait3A_175 = arith.constant 0 : i32
      %dma_wait3A_176 = tpu.memref_slice %arg11[%dma_wait3A_175] : memref<8192xf32, #tpu.memory_space<vmem_shared>> -> memref<8192xf32, #tpu.memory_space<vmem_shared>>
      tpu.wait_indirect_dma semaphore(%run_scoped3A_166 : memref<!tpu.dma_semaphore, #tpu.memory_space<semaphore_mem>>) src(%arg9 : memref<128xf32, #tpu.memory_space<vmem>>) dst(%dma_wait3A_176 : memref<8192xf32, #tpu.memory_space<vmem_shared>>)
      tpu.yield
    }) : () -> ()
    %dma_wait3A_88 = arith.constant 0 : i32
    %dma_wait3A_89 = tpu.memref_slice %arg4[%add3A_82, %dma_wait3A_88] : memref<16384x256xf32, #tpu.memory_space<hbm>> -> memref<128x256xf32, #tpu.memory_space<hbm>>
    %dma_wait3A_90 = arith.constant 0 : i32
    %dma_wait3A_91 = tpu.memref_slice %arg4[%add3A_82, %dma_wait3A_90] : memref<16384x256xf32, #tpu.memory_space<hbm>> -> memref<128x256xf32, #tpu.memory_space<hbm>>
    tpu.wait_dma2 semaphore(%arg14 : memref<!tpu.dma_semaphore, #tpu.memory_space<semaphore_mem>>) src(%arg7 : memref<128x256xf32, #tpu.memory_space<vmem>>) dst(%dma_wait3A_91 : memref<128x256xf32, #tpu.memory_space<hbm>>)
    %dma_start3A_92 = arith.constant 2 : i32
    %dma_start3A_93 = arith.constant 0 : i32
    %dma_start3A_94 = tpu.memref_slice %arg6[%dma_start3A_92, %dma_start3A_93] : memref<4x128xi32, #tpu.memory_space<vmem>> -> memref<1x128xi32, #tpu.memory_space<vmem>>
    %dma_start3A_95 = tpu.memref_squeeze %dma_start3A_94 : memref<1x128xi32, #tpu.memory_space<vmem>> -> memref<128xi32, #tpu.memory_space<vmem>>
    %dma_start3A_96 = arith.constant 0 : i32
    %dma_start3A_97 = arith.constant 0 : i32
    %dma_start3A_98 = tpu.memref_slice %arg2[%dma_start3A_96, %dma_start3A_97] : memref<8192x256xf32, #tpu.memory_space<hbm>> -> memref<8192x256xf32, #tpu.memory_space<hbm>>
    tpu.enqueue_indirect_dma source(%dma_start3A_98 : memref<8192x256xf32, #tpu.memory_space<hbm>>) target(%arg7 : memref<128x256xf32, #tpu.memory_space<vmem>>) offsets(%dma_start3A_95 : memref<128xi32, #tpu.memory_space<vmem>>) semaphore(%arg12 : memref<!tpu.dma_semaphore, #tpu.memory_space<semaphore_mem>>)
    %dma_wait3A_99 = arith.constant 1 : i32
    %dma_wait3A_100 = arith.constant 0 : i32
    %dma_wait3A_101 = tpu.memref_slice %arg6[%dma_wait3A_99, %dma_wait3A_100] : memref<4x128xi32, #tpu.memory_space<vmem>> -> memref<1x128xi32, #tpu.memory_space<vmem>>
    %dma_wait3A_102 = tpu.memref_squeeze %dma_wait3A_101 : memref<1x128xi32, #tpu.memory_space<vmem>> -> memref<128xi32, #tpu.memory_space<vmem>>
    %dma_wait3A_103 = arith.constant 0 : i32
    %dma_wait3A_104 = arith.constant 0 : i32
    %dma_wait3A_105 = tpu.memref_slice %arg2[%dma_wait3A_103, %dma_wait3A_104] : memref<8192x256xf32, #tpu.memory_space<hbm>> -> memref<8192x256xf32, #tpu.memory_space<hbm>>
    tpu.wait_indirect_dma semaphore(%arg13 : memref<!tpu.dma_semaphore, #tpu.memory_space<semaphore_mem>>) src(%dma_wait3A_105 : memref<8192x256xf32, #tpu.memory_space<hbm>>) dst(%arg8 : memref<128x256xf32, #tpu.memory_space<vmem>>)
    %add3A_106 = arith.constant 128 : i32
    %add3A_107 = arith.addi %mul3A_2, %add3A_106 : i32
    %dma_start3A_108 = arith.constant 0 : i32
    %dma_start3A_109 = tpu.memref_slice %arg4[%add3A_107, %dma_start3A_108] : memref<16384x256xf32, #tpu.memory_space<hbm>> -> memref<128x256xf32, #tpu.memory_space<hbm>>
    %dma_start3A_110 = arith.constant 0 : i32
    %dma_start3A_111 = tpu.memref_slice %arg4[%add3A_107, %dma_start3A_110] : memref<16384x256xf32, #tpu.memory_space<hbm>> -> memref<128x256xf32, #tpu.memory_space<hbm>>
    tpu.enqueue_dma source(%arg8 : memref<128x256xf32, #tpu.memory_space<vmem>>) target(%dma_start3A_111 : memref<128x256xf32, #tpu.memory_space<hbm>>) target_semaphore(%arg15 : memref<!tpu.dma_semaphore, #tpu.memory_space<semaphore_mem>>)
    %run_scoped3A_112 = arith.constant 1 : i32
    "tpu.region"() ({
      %run_scoped3A_166 = tpu.sem_alloc : memref<!tpu.dma_semaphore, #tpu.memory_space<semaphore_mem>>
      %dma_start3A_167 = arith.constant 0 : i32
      %dma_start3A_168 = tpu.memref_slice %arg6[%run_scoped3A_112, %dma_start3A_167] : memref<4x128xi32, #tpu.memory_space<vmem>> -> memref<1x128xi32, #tpu.memory_space<vmem>>
      %dma_start3A_169 = tpu.memref_squeeze %dma_start3A_168 : memref<1x128xi32, #tpu.memory_space<vmem>> -> memref<128xi32, #tpu.memory_space<vmem>>
      %dma_start3A_170 = arith.constant 0 : i32
      %dma_start3A_171 = tpu.memref_slice %arg11[%dma_start3A_170] : memref<8192xf32, #tpu.memory_space<vmem_shared>> -> memref<8192xf32, #tpu.memory_space<vmem_shared>>
      tpu.enqueue_indirect_dma source(%arg9 : memref<128xf32, #tpu.memory_space<vmem>>) target(%dma_start3A_171 : memref<8192xf32, #tpu.memory_space<vmem_shared>>) offsets(%dma_start3A_169 : memref<128xi32, #tpu.memory_space<vmem>>) semaphore(%run_scoped3A_166 : memref<!tpu.dma_semaphore, #tpu.memory_space<semaphore_mem>>) {add = true}
      %dma_wait3A_172 = arith.constant 0 : i32
      %dma_wait3A_173 = tpu.memref_slice %arg6[%run_scoped3A_112, %dma_wait3A_172] : memref<4x128xi32, #tpu.memory_space<vmem>> -> memref<1x128xi32, #tpu.memory_space<vmem>>
      %dma_wait3A_174 = tpu.memref_squeeze %dma_wait3A_173 : memref<1x128xi32, #tpu.memory_space<vmem>> -> memref<128xi32, #tpu.memory_space<vmem>>
      %dma_wait3A_175 = arith.constant 0 : i32
      %dma_wait3A_176 = tpu.memref_slice %arg11[%dma_wait3A_175] : memref<8192xf32, #tpu.memory_space<vmem_shared>> -> memref<8192xf32, #tpu.memory_space<vmem_shared>>
      tpu.wait_indirect_dma semaphore(%run_scoped3A_166 : memref<!tpu.dma_semaphore, #tpu.memory_space<semaphore_mem>>) src(%arg9 : memref<128xf32, #tpu.memory_space<vmem>>) dst(%dma_wait3A_176 : memref<8192xf32, #tpu.memory_space<vmem_shared>>)
      tpu.yield
    }) : () -> ()
    %dma_wait3A_113 = arith.constant 0 : i32
    %dma_wait3A_114 = tpu.memref_slice %arg4[%add3A_107, %dma_wait3A_113] : memref<16384x256xf32, #tpu.memory_space<hbm>> -> memref<128x256xf32, #tpu.memory_space<hbm>>
    %dma_wait3A_115 = arith.constant 0 : i32
    %dma_wait3A_116 = tpu.memref_slice %arg4[%add3A_107, %dma_wait3A_115] : memref<16384x256xf32, #tpu.memory_space<hbm>> -> memref<128x256xf32, #tpu.memory_space<hbm>>
    tpu.wait_dma2 semaphore(%arg15 : memref<!tpu.dma_semaphore, #tpu.memory_space<semaphore_mem>>) src(%arg8 : memref<128x256xf32, #tpu.memory_space<vmem>>) dst(%dma_wait3A_116 : memref<128x256xf32, #tpu.memory_space<hbm>>)
    %dma_start3A_117 = arith.constant 3 : i32
    %dma_start3A_118 = arith.constant 0 : i32
    %dma_start3A_119 = tpu.memref_slice %arg6[%dma_start3A_117, %dma_start3A_118] : memref<4x128xi32, #tpu.memory_space<vmem>> -> memref<1x128xi32, #tpu.memory_space<vmem>>
    %dma_start3A_120 = tpu.memref_squeeze %dma_start3A_119 : memref<1x128xi32, #tpu.memory_space<vmem>> -> memref<128xi32, #tpu.memory_space<vmem>>
    %dma_start3A_121 = arith.constant 0 : i32
    %dma_start3A_122 = arith.constant 0 : i32
    %dma_start3A_123 = tpu.memref_slice %arg2[%dma_start3A_121, %dma_start3A_122] : memref<8192x256xf32, #tpu.memory_space<hbm>> -> memref<8192x256xf32, #tpu.memory_space<hbm>>
    tpu.enqueue_indirect_dma source(%dma_start3A_123 : memref<8192x256xf32, #tpu.memory_space<hbm>>) target(%arg8 : memref<128x256xf32, #tpu.memory_space<vmem>>) offsets(%dma_start3A_120 : memref<128xi32, #tpu.memory_space<vmem>>) semaphore(%arg13 : memref<!tpu.dma_semaphore, #tpu.memory_space<semaphore_mem>>)
    %dma_wait3A_124 = arith.constant 2 : i32
    %dma_wait3A_125 = arith.constant 0 : i32
    %dma_wait3A_126 = tpu.memref_slice %arg6[%dma_wait3A_124, %dma_wait3A_125] : memref<4x128xi32, #tpu.memory_space<vmem>> -> memref<1x128xi32, #tpu.memory_space<vmem>>
    %dma_wait3A_127 = tpu.memref_squeeze %dma_wait3A_126 : memref<1x128xi32, #tpu.memory_space<vmem>> -> memref<128xi32, #tpu.memory_space<vmem>>
    %dma_wait3A_128 = arith.constant 0 : i32
    %dma_wait3A_129 = arith.constant 0 : i32
    %dma_wait3A_130 = tpu.memref_slice %arg2[%dma_wait3A_128, %dma_wait3A_129] : memref<8192x256xf32, #tpu.memory_space<hbm>> -> memref<8192x256xf32, #tpu.memory_space<hbm>>
    tpu.wait_indirect_dma semaphore(%arg12 : memref<!tpu.dma_semaphore, #tpu.memory_space<semaphore_mem>>) src(%dma_wait3A_130 : memref<8192x256xf32, #tpu.memory_space<hbm>>) dst(%arg7 : memref<128x256xf32, #tpu.memory_space<vmem>>)
    %add3A_131 = arith.constant 256 : i32
    %add3A_132 = arith.addi %mul3A_2, %add3A_131 : i32
    %dma_start3A_133 = arith.constant 0 : i32
    %dma_start3A_134 = tpu.memref_slice %arg4[%add3A_132, %dma_start3A_133] : memref<16384x256xf32, #tpu.memory_space<hbm>> -> memref<128x256xf32, #tpu.memory_space<hbm>>
    %dma_start3A_135 = arith.constant 0 : i32
    %dma_start3A_136 = tpu.memref_slice %arg4[%add3A_132, %dma_start3A_135] : memref<16384x256xf32, #tpu.memory_space<hbm>> -> memref<128x256xf32, #tpu.memory_space<hbm>>
    tpu.enqueue_dma source(%arg7 : memref<128x256xf32, #tpu.memory_space<vmem>>) target(%dma_start3A_136 : memref<128x256xf32, #tpu.memory_space<hbm>>) target_semaphore(%arg14 : memref<!tpu.dma_semaphore, #tpu.memory_space<semaphore_mem>>)
    %run_scoped3A_137 = arith.constant 2 : i32
    "tpu.region"() ({
      %run_scoped3A_166 = tpu.sem_alloc : memref<!tpu.dma_semaphore, #tpu.memory_space<semaphore_mem>>
      %dma_start3A_167 = arith.constant 0 : i32
      %dma_start3A_168 = tpu.memref_slice %arg6[%run_scoped3A_137, %dma_start3A_167] : memref<4x128xi32, #tpu.memory_space<vmem>> -> memref<1x128xi32, #tpu.memory_space<vmem>>
      %dma_start3A_169 = tpu.memref_squeeze %dma_start3A_168 : memref<1x128xi32, #tpu.memory_space<vmem>> -> memref<128xi32, #tpu.memory_space<vmem>>
      %dma_start3A_170 = arith.constant 0 : i32
      %dma_start3A_171 = tpu.memref_slice %arg11[%dma_start3A_170] : memref<8192xf32, #tpu.memory_space<vmem_shared>> -> memref<8192xf32, #tpu.memory_space<vmem_shared>>
      tpu.enqueue_indirect_dma source(%arg9 : memref<128xf32, #tpu.memory_space<vmem>>) target(%dma_start3A_171 : memref<8192xf32, #tpu.memory_space<vmem_shared>>) offsets(%dma_start3A_169 : memref<128xi32, #tpu.memory_space<vmem>>) semaphore(%run_scoped3A_166 : memref<!tpu.dma_semaphore, #tpu.memory_space<semaphore_mem>>) {add = true}
      %dma_wait3A_172 = arith.constant 0 : i32
      %dma_wait3A_173 = tpu.memref_slice %arg6[%run_scoped3A_137, %dma_wait3A_172] : memref<4x128xi32, #tpu.memory_space<vmem>> -> memref<1x128xi32, #tpu.memory_space<vmem>>
      %dma_wait3A_174 = tpu.memref_squeeze %dma_wait3A_173 : memref<1x128xi32, #tpu.memory_space<vmem>> -> memref<128xi32, #tpu.memory_space<vmem>>
      %dma_wait3A_175 = arith.constant 0 : i32
      %dma_wait3A_176 = tpu.memref_slice %arg11[%dma_wait3A_175] : memref<8192xf32, #tpu.memory_space<vmem_shared>> -> memref<8192xf32, #tpu.memory_space<vmem_shared>>
      tpu.wait_indirect_dma semaphore(%run_scoped3A_166 : memref<!tpu.dma_semaphore, #tpu.memory_space<semaphore_mem>>) src(%arg9 : memref<128xf32, #tpu.memory_space<vmem>>) dst(%dma_wait3A_176 : memref<8192xf32, #tpu.memory_space<vmem_shared>>)
      tpu.yield
    }) : () -> ()
    %dma_wait3A_138 = arith.constant 3 : i32
    %dma_wait3A_139 = arith.constant 0 : i32
    %dma_wait3A_140 = tpu.memref_slice %arg6[%dma_wait3A_138, %dma_wait3A_139] : memref<4x128xi32, #tpu.memory_space<vmem>> -> memref<1x128xi32, #tpu.memory_space<vmem>>
    %dma_wait3A_141 = tpu.memref_squeeze %dma_wait3A_140 : memref<1x128xi32, #tpu.memory_space<vmem>> -> memref<128xi32, #tpu.memory_space<vmem>>
    %dma_wait3A_142 = arith.constant 0 : i32
    %dma_wait3A_143 = arith.constant 0 : i32
    %dma_wait3A_144 = tpu.memref_slice %arg2[%dma_wait3A_142, %dma_wait3A_143] : memref<8192x256xf32, #tpu.memory_space<hbm>> -> memref<8192x256xf32, #tpu.memory_space<hbm>>
    tpu.wait_indirect_dma semaphore(%arg13 : memref<!tpu.dma_semaphore, #tpu.memory_space<semaphore_mem>>) src(%dma_wait3A_144 : memref<8192x256xf32, #tpu.memory_space<hbm>>) dst(%arg8 : memref<128x256xf32, #tpu.memory_space<vmem>>)
    %add3A_145 = arith.constant 384 : i32
    %add3A_146 = arith.addi %mul3A_2, %add3A_145 : i32
    %dma_start3A_147 = arith.constant 0 : i32
    %dma_start3A_148 = tpu.memref_slice %arg4[%add3A_146, %dma_start3A_147] : memref<16384x256xf32, #tpu.memory_space<hbm>> -> memref<128x256xf32, #tpu.memory_space<hbm>>
    %dma_start3A_149 = arith.constant 0 : i32
    %dma_start3A_150 = tpu.memref_slice %arg4[%add3A_146, %dma_start3A_149] : memref<16384x256xf32, #tpu.memory_space<hbm>> -> memref<128x256xf32, #tpu.memory_space<hbm>>
    tpu.enqueue_dma source(%arg8 : memref<128x256xf32, #tpu.memory_space<vmem>>) target(%dma_start3A_150 : memref<128x256xf32, #tpu.memory_space<hbm>>) target_semaphore(%arg15 : memref<!tpu.dma_semaphore, #tpu.memory_space<semaphore_mem>>)
    %run_scoped3A_151 = arith.constant 3 : i32
    "tpu.region"() ({
      %run_scoped3A_166 = tpu.sem_alloc : memref<!tpu.dma_semaphore, #tpu.memory_space<semaphore_mem>>
      %dma_start3A_167 = arith.constant 0 : i32
      %dma_start3A_168 = tpu.memref_slice %arg6[%run_scoped3A_151, %dma_start3A_167] : memref<4x128xi32, #tpu.memory_space<vmem>> -> memref<1x128xi32, #tpu.memory_space<vmem>>
      %dma_start3A_169 = tpu.memref_squeeze %dma_start3A_168 : memref<1x128xi32, #tpu.memory_space<vmem>> -> memref<128xi32, #tpu.memory_space<vmem>>
      %dma_start3A_170 = arith.constant 0 : i32
      %dma_start3A_171 = tpu.memref_slice %arg11[%dma_start3A_170] : memref<8192xf32, #tpu.memory_space<vmem_shared>> -> memref<8192xf32, #tpu.memory_space<vmem_shared>>
      tpu.enqueue_indirect_dma source(%arg9 : memref<128xf32, #tpu.memory_space<vmem>>) target(%dma_start3A_171 : memref<8192xf32, #tpu.memory_space<vmem_shared>>) offsets(%dma_start3A_169 : memref<128xi32, #tpu.memory_space<vmem>>) semaphore(%run_scoped3A_166 : memref<!tpu.dma_semaphore, #tpu.memory_space<semaphore_mem>>) {add = true}
      %dma_wait3A_172 = arith.constant 0 : i32
      %dma_wait3A_173 = tpu.memref_slice %arg6[%run_scoped3A_151, %dma_wait3A_172] : memref<4x128xi32, #tpu.memory_space<vmem>> -> memref<1x128xi32, #tpu.memory_space<vmem>>
      %dma_wait3A_174 = tpu.memref_squeeze %dma_wait3A_173 : memref<1x128xi32, #tpu.memory_space<vmem>> -> memref<128xi32, #tpu.memory_space<vmem>>
      %dma_wait3A_175 = arith.constant 0 : i32
      %dma_wait3A_176 = tpu.memref_slice %arg11[%dma_wait3A_175] : memref<8192xf32, #tpu.memory_space<vmem_shared>> -> memref<8192xf32, #tpu.memory_space<vmem_shared>>
      tpu.wait_indirect_dma semaphore(%run_scoped3A_166 : memref<!tpu.dma_semaphore, #tpu.memory_space<semaphore_mem>>) src(%arg9 : memref<128xf32, #tpu.memory_space<vmem>>) dst(%dma_wait3A_176 : memref<8192xf32, #tpu.memory_space<vmem_shared>>)
      tpu.yield
    }) : () -> ()
    %dma_wait3A_152 = arith.constant 0 : i32
    %dma_wait3A_153 = tpu.memref_slice %arg4[%add3A_132, %dma_wait3A_152] : memref<16384x256xf32, #tpu.memory_space<hbm>> -> memref<128x256xf32, #tpu.memory_space<hbm>>
    %dma_wait3A_154 = arith.constant 0 : i32
    %dma_wait3A_155 = tpu.memref_slice %arg4[%add3A_132, %dma_wait3A_154] : memref<16384x256xf32, #tpu.memory_space<hbm>> -> memref<128x256xf32, #tpu.memory_space<hbm>>
    tpu.wait_dma2 semaphore(%arg14 : memref<!tpu.dma_semaphore, #tpu.memory_space<semaphore_mem>>) src(%arg7 : memref<128x256xf32, #tpu.memory_space<vmem>>) dst(%dma_wait3A_155 : memref<128x256xf32, #tpu.memory_space<hbm>>)
    %dma_wait3A_156 = arith.constant 0 : i32
    %dma_wait3A_157 = tpu.memref_slice %arg4[%add3A_146, %dma_wait3A_156] : memref<16384x256xf32, #tpu.memory_space<hbm>> -> memref<128x256xf32, #tpu.memory_space<hbm>>
    %dma_wait3A_158 = arith.constant 0 : i32
    %dma_wait3A_159 = tpu.memref_slice %arg4[%add3A_146, %dma_wait3A_158] : memref<16384x256xf32, #tpu.memory_space<hbm>> -> memref<128x256xf32, #tpu.memory_space<hbm>>
    tpu.wait_dma2 semaphore(%arg15 : memref<!tpu.dma_semaphore, #tpu.memory_space<semaphore_mem>>) src(%arg8 : memref<128x256xf32, #tpu.memory_space<vmem>>) dst(%dma_wait3A_159 : memref<128x256xf32, #tpu.memory_space<hbm>>)
    %barrier3A_160 = arith.constant 0 : index
    tpu.barrier barrier_id(%barrier3A_160)
    %eq3A_161 = arith.constant 0 : i32
    %eq3A_162 = arith.cmpi eq, %arg1, %eq3A_161 : i32
    %convert_element_type3A_163 = arith.extui %eq3A_162 : i1 to i32
    %cond3A_164 = arith.constant 0 : i32
    %cond3A_165 = arith.cmpi ne, %convert_element_type3A_163, %cond3A_164 : i32
    scf.if %cond3A_165 {
      "tpu.region"() ({
        %run_scoped3A_166 = tpu.sem_alloc : memref<!tpu.dma_semaphore, #tpu.memory_space<semaphore_mem>>
        tpu.enqueue_dma source(%arg11 : memref<8192xf32, #tpu.memory_space<vmem_shared>>) target(%arg10 : memref<8192xf32, #tpu.memory_space<vmem>>) target_semaphore(%run_scoped3A_166 : memref<!tpu.dma_semaphore, #tpu.memory_space<semaphore_mem>>)
        tpu.wait_dma2 semaphore(%run_scoped3A_166 : memref<!tpu.dma_semaphore, #tpu.memory_space<semaphore_mem>>) src(%arg11 : memref<8192xf32, #tpu.memory_space<vmem_shared>>) dst(%arg10 : memref<8192xf32, #tpu.memory_space<vmem>>)
        tpu.yield
      }) : () -> ()
      "tpu.region"() ({
        %run_scoped3A_166 = tpu.sem_alloc : memref<!tpu.dma_semaphore, #tpu.memory_space<semaphore_mem>>
        %dma_start3A_167 = arith.constant 0 : i32
        %dma_start3A_168 = tpu.memref_slice %arg5[%arg0, %dma_start3A_167] : memref<2x8192xf32, #tpu.memory_space<hbm>> -> memref<1x8192xf32, #tpu.memory_space<hbm>>
        %dma_start3A_169 = tpu.memref_squeeze %dma_start3A_168 : memref<1x8192xf32, #tpu.memory_space<hbm>> -> memref<8192xf32, #tpu.memory_space<hbm>>
        %dma_start3A_170 = arith.constant 0 : i32
        %dma_start3A_171 = tpu.memref_slice %arg5[%arg0, %dma_start3A_170] : memref<2x8192xf32, #tpu.memory_space<hbm>> -> memref<1x8192xf32, #tpu.memory_space<hbm>>
        %dma_start3A_172 = tpu.memref_squeeze %dma_start3A_171 : memref<1x8192xf32, #tpu.memory_space<hbm>> -> memref<8192xf32, #tpu.memory_space<hbm>>
        tpu.enqueue_dma source(%arg10 : memref<8192xf32, #tpu.memory_space<vmem>>) target(%dma_start3A_172 : memref<8192xf32, #tpu.memory_space<hbm>>) target_semaphore(%run_scoped3A_166 : memref<!tpu.dma_semaphore, #tpu.memory_space<semaphore_mem>>)
        %dma_wait3A_173 = arith.constant 0 : i32
        %dma_wait3A_174 = tpu.memref_slice %arg5[%arg0, %dma_wait3A_173] : memref<2x8192xf32, #tpu.memory_space<hbm>> -> memref<1x8192xf32, #tpu.memory_space<hbm>>
        %dma_wait3A_175 = tpu.memref_squeeze %dma_wait3A_174 : memref<1x8192xf32, #tpu.memory_space<hbm>> -> memref<8192xf32, #tpu.memory_space<hbm>>
        %dma_wait3A_176 = arith.constant 0 : i32
        %dma_wait3A_177 = tpu.memref_slice %arg5[%arg0, %dma_wait3A_176] : memref<2x8192xf32, #tpu.memory_space<hbm>> -> memref<1x8192xf32, #tpu.memory_space<hbm>>
        %dma_wait3A_178 = tpu.memref_squeeze %dma_wait3A_177 : memref<1x8192xf32, #tpu.memory_space<hbm>> -> memref<8192xf32, #tpu.memory_space<hbm>>
        tpu.wait_dma2 semaphore(%run_scoped3A_166 : memref<!tpu.dma_semaphore, #tpu.memory_space<semaphore_mem>>) src(%arg10 : memref<8192xf32, #tpu.memory_space<vmem>>) dst(%dma_wait3A_178 : memref<8192xf32, #tpu.memory_space<hbm>>)
        tpu.yield
      }) : () -> ()
    } else {
    }
    return
  }
}

module attributes {stable_mosaic.version = 14 : i64} {
  func.func @_argmax_body(%arg0: i32, %arg1: memref<1024x256xbf16, #tpu.memory_space<vmem>>, %arg2: memref<8192x256xbf16, #tpu.memory_space<vmem>>, %arg3: memref<1x1x1024xi32, #tpu.memory_space<vmem>>) attributes {dimension_semantics = [#tpu.dimension_semantics<arbitrary>], iteration_bounds = array<i64: 16>, scalar_prefetch = 0 : i64, scratch_operands = 0 : i64, tpu.core_type = #tpu.core_type<tc>, window_params = [{transform_indices = @transform_0, window_bounds = array<i64: 1024, 256>}, {pipeline_mode = #tpu.pipeline_mode<synchronous>, transform_indices = @transform_1, window_bounds = array<i64: 8192, 256>}, {transform_indices = @transform_2, window_bounds = array<i64: 1, 1, 1024>}]} {
    %get3A = arith.constant 0 : index
    %get3A_0 = arith.constant 0 : index
    %get3A_1 = vector.load %arg1[%get3A, %get3A_0] : memref<1024x256xbf16, #tpu.memory_space<vmem>>, vector<1024x256xbf16>
    %get3A_2 = arith.constant 0 : index
    %get3A_3 = arith.constant 0 : index
    %get3A_4 = vector.load %arg2[%get3A_2, %get3A_3] : memref<8192x256xbf16, #tpu.memory_space<vmem>>, vector<8192x256xbf16>
    %dot_general3A = arith.constant dense<0.000000e+00> : vector<1024x8192xf32>
    %dot_general3A_5 = tpu.matmul %get3A_1, %get3A_4, %dot_general3A {dimension_numbers = #tpu.dot_dimension_numbers<[1], [1], [0], [0], [0, 0, 1, 0], [], []>, transpose_lhs_hint = false} : vector<1024x256xbf16>, vector<8192x256xbf16>, vector<1024x8192xf32> -> vector<1024x8192xf32>
    %argmax3A = tpu.reduce_index %dot_general3A_5 {axis = 1 : i32, kind = #tpu.reduction_kind<arg_max>} : vector<1024x8192xf32> -> vector<1024xi32>
    %swap3A = arith.constant 0 : index
    %swap3A_6 = arith.constant 0 : index
    %swap3A_7 = arith.constant 0 : index
    %swap3A_8 = vector.load %arg3[%swap3A, %swap3A_6, %swap3A_7] : memref<1x1x1024xi32, #tpu.memory_space<vmem>>, vector<1x1x1024xi32>
    %swap3A_9 = vector.shape_cast %swap3A_8 : vector<1x1x1024xi32> to vector<1024xi32>
    %swap3A_10 = vector.shape_cast %argmax3A : vector<1024xi32> to vector<1x1x1024xi32>
    tpu.vector_store %arg3[%swap3A, %swap3A_6, %swap3A_7], %swap3A_10 {strides = array<i32>} : memref<1x1x1024xi32, #tpu.memory_space<vmem>>, vector<1x1x1024xi32>,
    return
  }
  func.func @transform_0(%arg0: i32) -> (i32, i32) {
    %c0_i32 = arith.constant 0 : i32
    %c0_i32_0 = arith.constant 0 : i32
    return %arg0, %c0_i32 : i32, i32
  }
  func.func @transform_1(%arg0: i32) -> (i32, i32) {
    %c0_i32 = arith.constant 0 : i32
    %c0_i32_0 = arith.constant 0 : i32
    %c0_i32_1 = arith.constant 0 : i32
    return %c0_i32, %c0_i32_0 : i32, i32
  }
  func.func @transform_2(%arg0: i32) -> (i32, i32, i32) {
    %c0_i32 = arith.constant 0 : i32
    %c0_i32_0 = arith.constant 0 : i32
    %c0_i32_1 = arith.constant 0 : i32
    return %arg0, %c0_i32, %c0_i32_0 : i32, i32, i32
  }
}

module attributes {stable_mosaic.version = 14 : i64} {
  func.func @_loss_body(%arg0: i32, %arg1: memref<2048x256xf32, #tpu.memory_space<vmem>>, %arg2: memref<2048x256xf32, #tpu.memory_space<vmem>>, %arg3: memref<2x8192xf32, #tpu.memory_space<vmem>>, %arg4: memref<1x128xf32, #tpu.memory_space<vmem>>, %arg5: memref<1xf32, #tpu.memory_space<smem>>) attributes {dimension_semantics = [#tpu.dimension_semantics<arbitrary>], iteration_bounds = array<i64: 8>, scalar_prefetch = 0 : i64, scratch_operands = 1 : i64, tpu.core_type = #tpu.core_type<tc>, window_params = [{transform_indices = @transform_0, window_bounds = array<i64: 2048, 256>}, {transform_indices = @transform_1, window_bounds = array<i64: 2048, 256>}, {pipeline_mode = #tpu.pipeline_mode<synchronous>, transform_indices = @transform_2, window_bounds = array<i64: 2, 8192>}, {pipeline_mode = #tpu.pipeline_mode<synchronous>, transform_indices = @transform_3, window_bounds = array<i64: 1, 128>}]} {
    %eq3A = arith.constant 0 : i32
    %eq3A_0 = arith.cmpi eq, %arg0, %eq3A : i32
    %convert_element_type3A = arith.extui %eq3A_0 : i1 to i32
    %cond3A = arith.constant 0 : i32
    %cond3A_1 = arith.cmpi ne, %convert_element_type3A, %cond3A : i32
    scf.if %cond3A_1 {
      %swap3A_19 = arith.constant 0.000000e+00 : f32
      %swap3A_20 = arith.constant 0 : index
      %swap3A_21 = memref.load %arg5[%swap3A_20] : memref<1xf32, #tpu.memory_space<smem>>
      memref.store %swap3A_19, %arg5[%swap3A_20] : memref<1xf32, #tpu.memory_space<smem>>
    } else {
    }
    %get3A = arith.constant 0 : index
    %get3A_2 = arith.constant 0 : index
    %get3A_3 = vector.load %arg1[%get3A, %get3A_2] : memref<2048x256xf32, #tpu.memory_space<vmem>>, vector<2048x256xf32>
    %get3A_4 = arith.constant 0 : index
    %get3A_5 = arith.constant 0 : index
    %get3A_6 = vector.load %arg2[%get3A_4, %get3A_5] : memref<2048x256xf32, #tpu.memory_space<vmem>>, vector<2048x256xf32>
    %sub3A = arith.subf %get3A_3, %get3A_6 : vector<2048x256xf32>
    %get3A_7 = arith.constant 0 : index
    %get3A_8 = memref.load %arg5[%get3A_7] : memref<1xf32, #tpu.memory_space<smem>>
    %mul3A = arith.mulf %sub3A, %sub3A : vector<2048x256xf32>
    %reduce_sum3A = vector.shape_cast %mul3A : vector<2048x256xf32> to vector<1x2048x256xf32>
    %reduce_sum3A_9 = arith.constant dense<0.000000e+00> : vector<1xf32>
    %reduce_sum3A_10 = vector.multi_reduction <add>, %reduce_sum3A, %reduce_sum3A_9 [1, 2] : vector<1x2048x256xf32> to vector<1xf32>
    %reduce_sum3A_11 = vector.shape_cast %reduce_sum3A_10 : vector<1xf32> to vector<1x1x1xf32>
    %reduce_sum3A_12 = vector.extract %reduce_sum3A_11[0, 0, 0] : f32 from vector<1x1x1xf32>
    %add3A = arith.addf %get3A_8, %reduce_sum3A_12 : f32
    %swap3A = arith.constant 0 : index
    %swap3A_13 = memref.load %arg5[%swap3A] : memref<1xf32, #tpu.memory_space<smem>>
    memref.store %add3A, %arg5[%swap3A] : memref<1xf32, #tpu.memory_space<smem>>
    %eq3A_14 = arith.constant 7 : i32
    %eq3A_15 = arith.cmpi eq, %arg0, %eq3A_14 : i32
    %convert_element_type3A_16 = arith.extui %eq3A_15 : i1 to i32
    %cond3A_17 = arith.constant 0 : i32
    %cond3A_18 = arith.cmpi ne, %convert_element_type3A_16, %cond3A_17 : i32
    scf.if %cond3A_18 {
      %get3A_19 = arith.constant 0 : index
      %get3A_20 = arith.constant 0 : index
      %get3A_21 = vector.load %arg3[%get3A_19, %get3A_20] : memref<2x8192xf32, #tpu.memory_space<vmem>>, vector<1x8192xf32>
      %get3A_22 = arith.constant 1 : index
      %get3A_23 = arith.constant 0 : index
      %get3A_24 = vector.load %arg3[%get3A_22, %get3A_23] : memref<2x8192xf32, #tpu.memory_space<vmem>>, vector<1x8192xf32>
      %add3A_25 = arith.addf %get3A_21, %get3A_24 : vector<1x8192xf32>
      %reduce_sum3A_26 = vector.shape_cast %add3A_25 : vector<1x8192xf32> to vector<1x1x8192xf32>
      %reduce_sum3A_27 = arith.constant dense<0.000000e+00> : vector<1xf32>
      %reduce_sum3A_28 = vector.multi_reduction <add>, %reduce_sum3A_26, %reduce_sum3A_27 [1, 2] : vector<1x1x8192xf32> to vector<1xf32>
      %reduce_sum3A_29 = vector.shape_cast %reduce_sum3A_28 : vector<1xf32> to vector<1x1x1xf32>
      %reduce_sum3A_30 = vector.extract %reduce_sum3A_29[0, 0, 0] : f32 from vector<1x1x1xf32>
      %div3A = vector.broadcast %reduce_sum3A_30 : f32 to vector<1x8192xf32>
      %div3A_31 = arith.divf %add3A_25, %div3A : vector<1x8192xf32>
      %add3A_32 = arith.constant 1.000000e-10 : f32
      %add3A_33 = vector.broadcast %add3A_32 : f32 to vector<1x8192xf32>
      %add3A_34 = arith.addf %div3A_31, %add3A_33 : vector<1x8192xf32>
      %log3A = math.log %add3A_34 : vector<1x8192xf32>
      %mul3A_35 = arith.mulf %div3A_31, %log3A : vector<1x8192xf32>
      %reduce_sum3A_36 = arith.constant dense<0.000000e+00> : vector<1xf32>
      %reduce_sum3A_37 = vector.multi_reduction <add>, %mul3A_35, %reduce_sum3A_36 [1] : vector<1x8192xf32> to vector<1xf32>
      %broadcast_in_dim3A = vector.shape_cast %reduce_sum3A_37 : vector<1xf32> to vector<1x1xf32>
      %neg3A = arith.constant 0.000000e+00 : f32
      %neg3A_38 = vector.broadcast %neg3A : f32 to vector<1x1xf32>
      %neg3A_39 = arith.subf %neg3A_38, %broadcast_in_dim3A : vector<1x1xf32>
      %exp3A = math.exp %neg3A_39 : vector<1x1xf32>
      %sub3A_40 = arith.constant 9.01091289 : f32
      %sub3A_41 = vector.broadcast %sub3A_40 : f32 to vector<1x1xf32>
      %sub3A_42 = arith.subf %sub3A_41, %neg3A_39 : vector<1x1xf32>
      %div3A_43 = arith.constant 9.01091289 : f32
      %div3A_44 = vector.broadcast %div3A_43 : f32 to vector<1x1xf32>
      %div3A_45 = arith.divf %sub3A_42, %div3A_44 : vector<1x1xf32>
      %get3A_46 = arith.constant 0 : index
      %get3A_47 = memref.load %arg5[%get3A_46] : memref<1xf32, #tpu.memory_space<smem>>
      %div3A_48 = arith.constant 0x4A800000 : f32
      %div3A_49 = arith.divf %get3A_47, %div3A_48 : f32
      %broadcast_in_dim3A_50 = vector.broadcast %div3A_49 : f32 to vector<1x1xf32>
      %mul3A_51 = arith.constant 3.000000e-01 : f32
      %mul3A_52 = vector.broadcast %mul3A_51 : f32 to vector<1x1xf32>
      %mul3A_53 = arith.mulf %broadcast_in_dim3A_50, %mul3A_52 : vector<1x1xf32>
      %add3A_54 = arith.addf %mul3A_53, %broadcast_in_dim3A_50 : vector<1x1xf32>
      %mul3A_55 = arith.constant 1.000000e-03 : f32
      %mul3A_56 = vector.broadcast %mul3A_55 : f32 to vector<1x1xf32>
      %mul3A_57 = arith.mulf %mul3A_56, %div3A_45 : vector<1x1xf32>
      %add3A_58 = arith.addf %add3A_54, %mul3A_57 : vector<1x1xf32>
      %iota3A = tpu.iota {dimensions = array<i32: 1>} : vector<1x128xi32>
      %eq3A_59 = arith.constant 0 : i32
      %eq3A_60 = vector.broadcast %eq3A_59 : i32 to vector<1x128xi32>
      %eq3A_61 = arith.cmpi eq, %iota3A, %eq3A_60 : vector<1x128xi32>
      %jit3A = arith.constant 0.000000e+00 : f32
      %broadcast_in_dim3A_62 = vector.shape_cast %add3A_58 : vector<1x1xf32> to vector<1x1xf32>
      %broadcast_in_dim3A_63 = vector.broadcast %broadcast_in_dim3A_62 : vector<1x1xf32> to vector<1x128xf32>
      %broadcast_in_dim3A_64 = vector.broadcast %jit3A : f32 to vector<1x128xf32>
      %select_n3A = arith.select %eq3A_61, %broadcast_in_dim3A_63, %broadcast_in_dim3A_64 : vector<1x128xi1>, vector<1x128xf32>
      %eq3A_65 = arith.constant 1 : i32
      %eq3A_66 = vector.broadcast %eq3A_65 : i32 to vector<1x128xi32>
      %eq3A_67 = arith.cmpi eq, %iota3A, %eq3A_66 : vector<1x128xi32>
      %jit3A_68 = arith.constant 0.000000e+00 : f32
      %broadcast_in_dim3A_69 = vector.shape_cast %exp3A : vector<1x1xf32> to vector<1x1xf32>
      %broadcast_in_dim3A_70 = vector.broadcast %broadcast_in_dim3A_69 : vector<1x1xf32> to vector<1x128xf32>
      %broadcast_in_dim3A_71 = vector.broadcast %jit3A_68 : f32 to vector<1x128xf32>
      %select_n3A_72 = arith.select %eq3A_67, %broadcast_in_dim3A_70, %broadcast_in_dim3A_71 : vector<1x128xi1>, vector<1x128xf32>
      %add3A_73 = arith.addf %select_n3A, %select_n3A_72 : vector<1x128xf32>
      %eq3A_74 = arith.constant 2 : i32
      %eq3A_75 = vector.broadcast %eq3A_74 : i32 to vector<1x128xi32>
      %eq3A_76 = arith.cmpi eq, %iota3A, %eq3A_75 : vector<1x128xi32>
      %jit3A_77 = arith.constant 0.000000e+00 : f32
      %broadcast_in_dim3A_78 = vector.shape_cast %div3A_45 : vector<1x1xf32> to vector<1x1xf32>
      %broadcast_in_dim3A_79 = vector.broadcast %broadcast_in_dim3A_78 : vector<1x1xf32> to vector<1x128xf32>
      %broadcast_in_dim3A_80 = vector.broadcast %jit3A_77 : f32 to vector<1x128xf32>
      %select_n3A_81 = arith.select %eq3A_76, %broadcast_in_dim3A_79, %broadcast_in_dim3A_80 : vector<1x128xi1>, vector<1x128xf32>
      %add3A_82 = arith.addf %add3A_73, %select_n3A_81 : vector<1x128xf32>
      %swap3A_83 = arith.constant 0 : index
      %swap3A_84 = arith.constant 0 : index
      %swap3A_85 = vector.load %arg4[%swap3A_83, %swap3A_84] : memref<1x128xf32, #tpu.memory_space<vmem>>, vector<1x128xf32>
      tpu.vector_store %arg4[%swap3A_83, %swap3A_84], %add3A_82 {strides = array<i32>} : memref<1x128xf32, #tpu.memory_space<vmem>>, vector<1x128xf32>,
    } else {
    }
    return
  }
  func.func @transform_0(%arg0: i32) -> (i32, i32) {
    %c0_i32 = arith.constant 0 : i32
    %c0_i32_0 = arith.constant 0 : i32
    return %arg0, %c0_i32 : i32, i32
  }
  func.func @transform_1(%arg0: i32) -> (i32, i32) {
    %c0_i32 = arith.constant 0 : i32
    %c0_i32_0 = arith.constant 0 : i32
    return %arg0, %c0_i32 : i32, i32
  }
  func.func @transform_2(%arg0: i32) -> (i32, i32) {
    %c0_i32 = arith.constant 0 : i32
    %c0_i32_0 = arith.constant 0 : i32
    %c0_i32_1 = arith.constant 0 : i32
    return %c0_i32, %c0_i32_0 : i32, i32
  }
  func.func @transform_3(%arg0: i32) -> (i32, i32) {
    %c0_i32 = arith.constant 0 : i32
    %c0_i32_0 = arith.constant 0 : i32
    %c0_i32_1 = arith.constant 0 : i32
    return %c0_i32, %c0_i32_0 : i32, i32
  }
}

</mosaic_0001>

<sc_bundles>
// kernel: kernel.5.cloned.1.call-start
scs
__scs_entry_jumppad:
0x0: {  	(pc) =	sbr.rel $0x88, $3  }
0x1: {  	(tag) =	ssettag $0x0;
	lr =	simm.s32 $0x1  }
0x2: {  	[smem:$0x3F9F] =	sst lr;
	_ =	strace $0xD0000000  }
0x3: {  	_ = 	snop  }
0x4: {  	_ = 	snop  }
0x5: {  	_ = 	snop  }
0x6: {  	_ = 	snop  }
0x7: {  	_ = 	snop  }
__scs_overlays_trampoline_lowered:
0x8: {  	[smem:$0x3FAE] =	sst s0  }
0x9: {  	[smem:$0x3FAF] =	sst s1  }
0xa: {  	[smem:$0x3FB0] =	sst s2  }
0xb: {  	[smem:$0x3FB1] =	sst s3  }
0xc: {  	[smem:$0x3FB2] =	sst s4  }
0xd: {  	[smem:$0x3FB3] =	sst s5  }
0xe: {  	[smem:$0x3FB4] =	sst s6  }
0xf: {  	[smem:$0x3FB5] =	sst s7  }
0x10: {  	[smem:$0x3FB6] =	sst s8  }
0x11: {  	[smem:$0x3FB7] =	sst s9;
	s0 =	simm.s32 @!p0 $0x0  }
0x12: {  	s1 =	sld [smem:$0x3F9D];
	s0 =	simm.s32 @p0 $0x1  }
0x13: {  	[smem:$0x3FB8] =	sst s0;
	s0 =	simm.s32 @!p1 $0x0  }
0x14: {  	s2 =	sld [smem:$0x3F9C];
	s0 =	simm.s32 @p1 $0x1  }
0x15: {  	[smem:$0x3FB9] =	sst s0;
	s0 =	simm.s32 @!p2 $0x0  }
0x16: {  	s3 =	sld [smem:$0x3FDB];
	s0 =	simm.s32 @p2 $0x1  }
0x17: {  	s4 =	simm.s32 $0x1BF5;
	[smem:$0x3FBB] =	sst s0  }
0x18: {  	s0 =	sld [smem:$0x3F9E];
	_ =	swait.ge [sflag:s4], $0x0  }
0x19: {  	s7 =	sld [smem:$0x3F9F]  }
0x1a: {  	s8 =	sadd.s32 $0xFFFFE003, lr  }
0x1b: {  	s9 =	sadd.s32 $0xFFFFFEF7, lr;
	s5 =	simm.s32 $0xFFFFFFFF;
	p2 =	slt.u32 s8, $0xFFFFF086  }
0x1c: {  	p1 =	slt.u32 s9, $0xF7A;
	s5 =	simm.s32 @!p2 $0x0  }
0x1d: {  	s5 =	simm.s32 @p1 $0x1;
	p0 =	seq.s32 s7, s2  }
0x1e: {  	s7 =	smul.u32 @!p0 $0xF7A, s2;
	p2 =	seq.s32 @!p0 s5, $0x0  }
0x1f: {  	s9 =	smul.u32 $0xF7A, s1;
	s8 =	simm.s32 @!p0 $0x1BF5;
	p2 =	por !p2, p0  }
0x20: {  	[sflag:s8] =	ssyncset.s32 @!p0 $0xFFFFF086;
	s6 =	sadd.s32 @!p0 s3, s7;
	s7 =	simm.s32 @!p0 $0x108  }
0x21: {  	s3 =	sadd.s32 s3, s9;
	s6 =	sadd.s32 @!p0 $0x88, s6;
	s7 =	simm.s32 @p2 $0x1082  }
0x22: {  	[simem:s7], [sflag:s8] =	dma.local @!p0 [hbm:s6], $0xF7A  }
0x23: {  	s9 =	sor.u32 $0xD0000000, s2;
	s6 =	simm.s32 $0x108;
	_ =	swait.ge @!p0 [sflag:s8], $0x0  }
0x24: {  	s3 =	sadd.s32 $0x88, s3;
	s6 =	simm.s32 @!p1 $0x1082;
	[sflag:s4] =	ssyncset.s32 $0xFFFFF086  }
0x25: {  	[simem:s6], [sflag:s4] =	dma.local [hbm:s3], $0xF7A  }
0x26: {  	[smem:$0x3F9F] =	sst s1;
	(tag) =	ssettag s2;
	_ =	strace s9  }
0x27: {  	s1 =	sld [smem:$0x3FAF]  }
0x28: {  	s2 =	sld [smem:$0x3FB0]  }
0x29: {  	s4 =	sld [smem:$0x3FB2]  }
0x2a: {  	p0 =	seq.s32 s5, $0x0;
	s5 =	sld [smem:$0x3FB3]  }
0x2b: {  	s6 =	sld [smem:$0x3FB4]  }
0x2c: {  	s7 =	sld [smem:$0x3FB5]  }
0x2d: {  	s3 =	simm.s32 $0x108;
	s8 =	sld [smem:$0x3FB6]  }
0x2e: {  	s3 =	simm.s32 @!p0 $0x1082;
	s9 =	sld [smem:$0x3FB7]  }
0x2f: {  	lr =	sadd.s32 s0, s3;
	s0 =	sld [smem:$0x3FAE]  }
0x30: {  	s3 =	sld [smem:$0x3FB1]  }
0x31: {  	[smem:$0x3FBA] =	sst s10  }
0x32: {  	s10 =	sld [smem:$0x3FB8];
	_ =	sdelay $0x3  }
0x33: {  	p0 =	seq.s32 s10, $0x1;
	s10 =	sld [smem:$0x3FBA];
	_ =	sdelay $0x3  }
0x34: {  	[smem:$0x3FBA] =	sst s10  }
0x35: {  	s10 =	sld [smem:$0x3FB9];
	_ =	sdelay $0x3  }
0x36: {  	p1 =	seq.s32 s10, $0x1;
	s10 =	sld [smem:$0x3FBA];
	_ =	sdelay $0x3  }
0x37: {  	[smem:$0x3FBA] =	sst s10  }
0x38: {  	s10 =	sld [smem:$0x3FBB]  }
0x39: {  	_ = 	snop;
	(pc) =	sbr.ind lr, $3  }
0x3a: {  	_ = 	snop  }
0x3b: {  	_ = 	snop  }
0x3c: {  	p2 =	seq.s32 s10, $0x1;
	s10 =	sld [smem:$0x3FBA]  }
0x3d: {  	_ =	shalt  }
0x3e: {  	_ =	shalt  }
0x3f: {  	_ =	shalt  }
0x40: {  	_ =	shalt  }
0x41: {  	_ =	shalt  }
0x42: {  	_ =	shalt  }
0x43: {  	_ =	shalt  }
0x44: {  	_ =	shalt  }
0x45: {  	_ =	shalt  }
0x46: {  	_ =	shalt  }
0x47: {  	_ =	shalt  }
0x48: {  	_ =	shalt  }
0x49: {  	_ =	shalt  }
0x4a: {  	_ =	shalt  }
0x4b: {  	_ =	shalt  }
0x4c: {  	_ =	shalt  }
0x4d: {  	_ =	shalt  }
0x4e: {  	_ =	shalt  }
0x4f: {  	_ =	shalt  }
0x50: {  	_ =	shalt  }
0x51: {  	_ =	shalt  }
0x52: {  	_ =	shalt  }
0x53: {  	_ =	shalt  }
0x54: {  	_ =	shalt  }
0x55: {  	_ =	shalt  }
0x56: {  	_ =	shalt  }
0x57: {  	_ =	shalt  }
0x58: {  	_ =	shalt  }
0x59: {  	_ =	shalt  }
0x5a: {  	_ =	shalt  }
0x5b: {  	_ =	shalt  }
0x5c: {  	_ =	shalt  }
0x5d: {  	_ =	shalt  }
0x5e: {  	_ =	shalt  }
0x5f: {  	_ =	shalt  }
0x60: {  	_ =	shalt  }
0x61: {  	_ =	shalt  }
0x62: {  	_ =	shalt  }
0x63: {  	_ =	shalt  }
0x64: {  	_ =	shalt  }
0x65: {  	_ =	shalt  }
0x66: {  	_ =	shalt  }
0x67: {  	_ =	shalt  }
0x68: {  	_ =	shalt  }
0x69: {  	_ =	shalt  }
0x6a: {  	_ =	shalt  }
0x6b: {  	_ =	shalt  }
0x6c: {  	_ =	shalt  }
0x6d: {  	_ =	shalt  }
0x6e: {  	_ =	shalt  }
0x6f: {  	_ =	shalt  }
0x70: {  	_ =	shalt  }
0x71: {  	_ =	shalt  }
0x72: {  	_ =	shalt  }
0x73: {  	_ =	shalt  }
0x74: {  	_ =	shalt  }
0x75: {  	_ =	shalt  }
0x76: {  	_ =	shalt  }
0x77: {  	_ =	shalt  }
0x78: {  	_ =	shalt  }
0x79: {  	_ =	shalt  }
0x7a: {  	_ =	shalt  }
0x7b: {  	_ =	shalt  }
0x7c: {  	_ =	shalt  }
0x7d: {  	_ =	shalt  }
0x7e: {  	_ =	shalt  }
0x7f: {  	_ =	shalt  }
0x80: {  	_ =	shalt  }
0x81: {  	_ =	shalt  }
0x82: {  	_ =	shalt  }
0x83: {  	_ =	shalt  }
0x84: {  	_ =	shalt  }
0x85: {  	_ =	shalt  }
0x86: {  	_ =	shalt  }
0x87: {  	_ =	shalt  }
.Lfunc_end0:
.L_simem_size_0:
called_computation_lowered:
.L_overlay_start_0:
0x88: {  	s2 =	sld [smem:$0x3FD9]  }
0x89: {  	s3 =	sld [smem:$0x3FFE];
	_ =	sdelay $0x1  }
0x8a: {  	s1 =	srdreg.scid  }
0x8b: {  	s0 =	sand.u32 $0x1, s1  }
0x8c: {  	s14 =	sshll.u32 s0, $0xA;
	s2 =	sadd.s32 s3, s2  }
0x8d: {  	s2 =	sadd.s32 s2, s14  }
0x8e: {  	[smem:$0x3FC6] =	sst s2  }
0x8f: {  	_ = 	snop  }
0x90: {  	s2 =	sld [smem:$0x3FD0];
	_ =	sdelay $0x2  }
0x91: {  	s4 =	simm.s32 $0xA;
	s5 =	simm.s32 $0x10;
	s15 =	sld [smem:$0x3FC8]  }
0x92: {  	[smem:s5], [sflag:s4] =	dma.local [hbm:s2], $0x1  }
0x93: {  	_ =	swait.eq [sflag:s4], $0x1  }
0x94: {  	[sflag:s4] =	ssyncset.done $0x0  }
0x95: {  	s16 =	sld [smem:$0x10];
	[sflag:s4] =	ssyncadd.s32 $0xFFFFFFFF  }
0x96: {  	s17 =	sld [smem:$0x13];
	(tm) =	ssettm $0x1  }
0x97: {  	s18 =	sld [smem:$0x3FFB];
	_ =	sdelay $0x3  }
0x98: {  	_ =	strace s18  }
0x99: {  	s5 =	sld [smem:$0x3FFC];
	_ =	sdelay $0x3  }
0x9a: {  	_ =	strace s5  }
0x9b: {  	s5 =	sld [smem:$0x3FFD];
	_ =	sdelay $0x3  }
0x9c: {  	_ =	strace s5  }
0x9d: {  	_ =	strace $0x8FFFFFFF  }
0x9e: {  	s19 =	sld [smem:$0x3FDB];
	_ =	sdelay $0x1  }
0x9f: {  	s6 =	simm.s32 $_scs_section_size  }
0xa0: {  	s7 =	simm.s32 $_size__tile_overlayer_lowered;
	s8 =	simm.s32 $_tile_overlayer_lowered  }
0xa1: {  	s22 =	simm.s32 $0x1BFF;
	s21 =	sshll.u32 s8, $0x1;
	s5 =	sadd.s32 s6, s19  }
0xa2: {  	s9 =	simm.s32 $0x0;
	s20 =	sshll.u32 s7, $0x1;
	s7 =	sadd.s32 s21, s5  }
0xa3: {  	[timem:s9], [sflag:s22] =	dma.local [hbm:s7], s20  }
0xa4: {  	_ =	swait.ge [sflag:s22], s20  }
0xa5: {  	s6 =	ssub.s32 $0x0, s20;
	[sflag:s22] =	ssyncset.done $0x0  }
0xa6: {  	[sflag:s22] =	ssyncadd.s32 s6;
	_ =	sdelay $0x1  }
0xa7: {  	s23 =	simm.s32 $0x1B8B  }
0xa8: {  	_ =	swait.ge [sflag:s23], $0x1  }
0xa9: {  	[sflag:s23] =	ssyncset.done $0x0  }
0xaa: {  	s25 =	simm.s32 $0x1B8E;
	s24 =	sld [smem:$0x3FFE];
	[sflag:s23] =	ssyncadd.s32 $0xFFFFFFFF  }
0xab: {  	s26 =	simm.s32 $execute0_lowered;
	[smem:$0x3FD2] =	sst s25  }
0xac: {  	s7 =	sshll.u32 s26, $0x1;
	_ =	strace $0x80000046;
	[dreg:$0x1] =	wrdreg $0xFFFFFFFF  }
0xad: {  	s28 =	simm.s32 $_size_execute0_lowered;
	s5 =	sadd.s32 s5, s7;
	[dreg:$0x0] =	wrdreg $0x0  }
0xae: {  	s7 =	sshll.u32 s28, $0x1;
	[dreg:$0x2] =	wrdreg s5  }
0xaf: {  	[dreg:$0x3] =	wrdreg s7  }
0xb0: {  	[dreg:$0x4] =	wrdreg $0xC0  }
0xb1: {  	_ =	task [dreg:s9], $0x5FFFF  }
0xb2: {  	[dreg:$0x1] =	wrdreg $0xFFFFFFFF  }
0xb3: {  	[dreg:$0x0] =	wrdreg $0x60  }
0xb4: {  	[dreg:$0x2] =	wrdreg s15  }
0xb5: {  	[dreg:$0x3] =	wrdreg s17  }
0xb6: {  	[dreg:$0x4] =	wrdreg s16  }
0xb7: {  	[dreg:$0x5] =	wrdreg s24  }
0xb8: {  	[dreg:$0x6] =	wrdreg $0x122800  }
0xb9: {  	[dreg:$0x7] =	wrdreg $0x9  }
0xba: {  	_ =	task.clear_ibuf [dreg:s9], $0x8FFFF;
	_ =	strace $0x90000046  }
0xbb: {  	s29 =	simm.s32 $0x9;
	_ =	strace $0x80000048  }
0xbc: {  	_ =	swait.ge [sflag:s29], $0x1  }
0xbd: {  	[sflag:s29] =	ssyncadd.s32 $0xFFFFFFFF  }
0xbe: {  	_ =	strace $0x90000048  }
0xbf: {  	_ =	sfence  }
0xc0: {  	s30 =	sld [smem:$0x0];
	_ =	sdelay $0x2  }
0xc1: {  	s31 =	sshll.u32 s1, $0xD;
	s1 =	sshrl.u32 s1, $0x2  }
0xc2: {  	s3 =	sand.u32 $0x4000, s31;
	s1 =	sadd.s32 s1, s30  }
0xc3: {  	s0 =	sor.u32 s3, s0;
	s1 =	sshll.u32 s1, $0x11  }
0xc4: {  	s0 =	sor.u32 s1, s0  }
0xc5: {  	s0 =	sadd.s32 $0x8F2B, s0  }
0xc6: {  	[sflag:s0] =	ssyncadd.remote.s32 $0x1  }
0xc7: {  	_ =	sfence.sel $0xFFFF  }
0xc8: {  	[dreg:$0x0] =	wrdreg $0xFFFFFFFF;
	(pc) =	sbr.abs _section_cstart, $3  }
0xc9: {  	[dreg:$0x1] =	wrdreg $0xFFFFFFFF  }
0xca: {  	_ =	task.clear_ibuf [dreg:s9], $0x2FFFF;
	_ =	strace $0x9FFFFFFF  }
0xcb: {  	(tm) =	ssettm $0x7FFFFFFF  }
tec
execute0_lowered:
.L_overlay_start_1:
0x0: {  	(tag) =	ssettag $0x1  }
0x1: {  	s1 =	rddreg [dreg:$0x0]  }
0x2: {  	s0 =	rddreg [dreg:$0x1]  }
0x3: {  	s4 =	rddreg [dreg:$0x2]  }
0x4: {  	s5 =	rddreg [dreg:$0x3]  }
0x5: {  	s3 =	simm.s32 $0x0;
	s6 =	srdreg.scid;
	s8 =	stileid.u32  }
0x6: {  	s14 =	simm.s32 $0x5;
	s2 =	simm.s32 $0x80;
	s29 =	simm.s32 $0x180  }
0x7: {  	s13 =	simm.s32 $0x5200;
	s28 =	simm.s32 $0x8200;
	s30 =	simm.s32 $0xA200  }
0x8: {  	s31 =	simm.s32 $0xAA00;
	[smem:$0x7FF] =	sst s3;
	s6 =	sand.u32 $0x1, s6  }
0x9: {  	s10 =	sshll.u32 s8, $0xA;
	p0 =	sne.s32 s8, $0x0;
	_ =	strace $0x80000047  }
0xa: {  	s7 =	sshll.u32 s6, $0x4;
	s9 =	ssub.s32 $0x2, s6;
	s6 =	sshll.u32 s6, $0x9  }
0xb: {  	s5 =	sadd.s32 s7, s5;
	s15 =	sshrl.u32 s9, $0x1;
	s6 =	sor.u32 s6, s10  }
0xc: {  	s7 =	ssub.s32 s9, s15;
	s16 =	sshrl.u32 s6, $0x3;
	s10 =	sor.u32 $0x80, s6  }
0xd: {  	s11 =	sor.u32 $0x100, s6;
	s12 =	sor.u32 $0x180, s6;
	s6 =	sshll.u32 s6, $0x5  }
0xe: {  	s25 =	sadd.s32 $0x1600, s5;
	s5 =	simm.s32 $0x100;
	s15 =	simm.s32 $0x3  }
0xf: {  	s9 =	sadd.s32 s0, s16;
	s17 =	sshrl.u32 s10, $0x3;
	s18 =	sshrl.u32 s11, $0x3  }
0x10: {  	s19 =	sshrl.u32 s12, $0x3;
	s20 =	sadd.s32 s4, s6;
	s21 =	sshll.u32 s10, $0x5  }
0x11: {  	s22 =	sshll.u32 s11, $0x5;
	s23 =	sshll.u32 s12, $0x5;
	[dreg:$0xe] =	wrdreg s25  }
0x12: {  	s26 =	smax.u32 s7, $0x1;
	s16 =	simm.s32 $0x2200;
	s10 =	simm.s32 $0x3200  }
0x13: {  	s11 =	simm.s32 $0x3A00;
	s12 =	simm.s32 $0x4200;
	[dreg:$0x6] =	wrdreg s9  }
0x14: {  	s25 =	simm.s32 $0x7A00;
	s6 =	simm.s32 $0x10200;
	[dreg:$0xa] =	wrdreg s20  }
0x15: {  	s9 =	sadd.s32 s0, s17;
	s24 =	sadd.s32 s4, s23;
	[dreg:$0xf] =	wrdreg s26  }
0x16: {  	s17 =	simm.s32 $0x2A00;
	s20 =	simm.s32 $0x4A00;
	[dreg:$0x7] =	wrdreg s9  }
.Ltmp0:
0x17: {  	s9 =	sadd.s32 s0, s18;
	[dreg:$0xd] =	wrdreg s24;
	(pc) =	sbr.rel .LBB2_1-.Ltmp0, $4  }
0x18: {  	s23 =	simm.s32 $0x6A00;
	s0 =	sadd.s32 s0, s19;
	[dreg:$0x8] =	wrdreg s9  }
0x19: {  	v0 =	vimm.f32 $0.0e+00;
	v4 =	vlaneseq.u32;
	s24 =	simm.s32 $0x7200;
	[dreg:$0x9] =	wrdreg s0;
	s0 =	sadd.s32 s4, s21  }
0x1a: {  	v1 =	vimm.f32 $1.000000000e+00;
	vm0 =	vmmov $0xffff;
	v3 =	vshrl.u32 v4, $0x3;
	s21 =	simm.s32 $0x5A00;
	[dreg:$0xb] =	wrdreg s0;
	s0 =	sadd.s32 s4, s22  }
0x1b: {  	v2 =	vand.u32 $0x7, v4;
	v4 =	vor.u32 $0x8, v4;
	v3 =	vmul.u32 $0x8, v3;
	s22 =	simm.s32 $0x6200;
	[dreg:$0xc] =	wrdreg s0;
	s0 =	simm.s32 $0x0  }
.LBB2_5:
0x1c: {  	[tilespmem:$0x10200] =	vst v1  }
0x1d: {  	[tilespmem:$0x10210] =	vst v1  }
0x1e: {  	[tilespmem:$0x10220] =	vst v1  }
0x1f: {  	[tilespmem:$0x10230] =	vst v1  }
0x20: {  	[tilespmem:$0x10240] =	vst v1  }
0x21: {  	[tilespmem:$0x10250] =	vst v1  }
0x22: {  	[tilespmem:$0x10260] =	vst v1  }
0x23: {  	[tilespmem:$0x10270] =	vst v1  }
0x24: {  	[bflag:$0x0] =	sbarrier.arrive $0xFFFF  }
0x25: {  	v5 =	vld [tilespmem:$0x0];
	_ =	sdelay $0x4  }
0x26: {  	v6 =	vshll.u32 v5, $0x1  }
0x27: {  	v5 =	vand.u32 $0x7, v5;
	v6 =	vand.u32 $0xFFFFFFF0, v6  }
0x28: {  	v5 =	vor.u32 v5, v6  }
0x29: {  	v6 =	vperm.xlane v5, v2;
	_ =	sdelay $0x1  }
0x2a: {  	v5 =	vperm.xlane v5, v4;
	v6 =	vadd.s32 v3, v6;
	_ =	sdelay $0x1  }
0x2b: {  	v5 =	vadd.s32 v3, v5;
	_ =	sdelay $0x1  }
0x2c: {  	s4 =	simm.s32 $0x200  }
0x2d: {  	[tilespmem:s4], [sflag:$0x1] =	stream.indirect_vreg.gather [hbm4b:s1+s3], $0x80, v6, vm0, $0xb8;
	[tilespmem:$0x12480] =	vst v63  }
0x2e: {  	s8 =	simm.s32 $0xA00  }
0x2f: {  	[tilespmem:s8], [sflag:$0x1] =	stream.indirect_vreg.gather [hbm4b:s1+s3], $0x80, v5, vm0, $0xb8;
	[tilespmem:$0x12480] =	vst v63  }
0x30: {  	v5 =	vld [tilespmem:$0x10];
	_ =	sdelay $0x4  }
0x31: {  	v6 =	vshll.u32 v5, $0x1  }
0x32: {  	v5 =	vand.u32 $0x7, v5;
	v6 =	vand.u32 $0xFFFFFFF0, v6  }
0x33: {  	v5 =	vor.u32 v5, v6  }
0x34: {  	v6 =	vperm.xlane v5, v2;
	_ =	sdelay $0x1  }
0x35: {  	v5 =	vperm.xlane v5, v4;
	v6 =	vadd.s32 v3, v6;
	_ =	sdelay $0x1  }
0x36: {  	v5 =	vadd.s32 v3, v5;
	_ =	sdelay $0x1  }
0x37: {  	s18 =	simm.s32 $0x1200  }
0x38: {  	[tilespmem:s18], [sflag:$0x1] =	stream.indirect_vreg.gather [hbm4b:s1+s3], $0x80, v6, vm0, $0xb8;
	[tilespmem:$0x12480] =	vst v63  }
0x39: {  	s9 =	simm.s32 $0x1A00  }
0x3a: {  	[tilespmem:s9], [sflag:$0x1] =	stream.indirect_vreg.gather [hbm4b:s1+s3], $0x80, v5, vm0, $0xb8;
	[tilespmem:$0x12480] =	vst v63  }
0x3b: {  	v5 =	vld [tilespmem:$0x20];
	_ =	sdelay $0x4  }
0x3c: {  	v6 =	vshll.u32 v5, $0x1  }
0x3d: {  	v5 =	vand.u32 $0x7, v5;
	v6 =	vand.u32 $0xFFFFFFF0, v6  }
0x3e: {  	v5 =	vor.u32 v5, v6  }
0x3f: {  	v6 =	vperm.xlane v5, v2;
	_ =	sdelay $0x1  }
0x40: {  	v5 =	vperm.xlane v5, v4;
	v6 =	vadd.s32 v3, v6;
	_ =	sdelay $0x1  }
0x41: {  	v5 =	vadd.s32 v3, v5;
	_ =	sdelay $0x2  }
0x42: {  	[tilespmem:s16], [sflag:$0x1] =	stream.indirect_vreg.gather [hbm4b:s1+s3], $0x80, v6, vm0, $0xb8;
	[tilespmem:$0x12480] =	vst v63  }
0x43: {  	_ = 	snop  }
0x44: {  	[tilespmem:s17], [sflag:$0x1] =	stream.indirect_vreg.gather [hbm4b:s1+s3], $0x80, v5, vm0, $0xb8;
	[tilespmem:$0x12480] =	vst v63  }
0x45: {  	v5 =	vld [tilespmem:$0x30];
	_ =	sdelay $0x4  }
0x46: {  	v6 =	vshll.u32 v5, $0x1  }
0x47: {  	v5 =	vand.u32 $0x7, v5;
	v6 =	vand.u32 $0xFFFFFFF0, v6  }
0x48: {  	v5 =	vor.u32 v5, v6  }
0x49: {  	v6 =	vperm.xlane v5, v2;
	_ =	sdelay $0x1  }
0x4a: {  	v5 =	vperm.xlane v5, v4;
	v6 =	vadd.s32 v3, v6;
	_ =	sdelay $0x1  }
0x4b: {  	v5 =	vadd.s32 v3, v5;
	_ =	sdelay $0x2  }
0x4c: {  	[tilespmem:s10], [sflag:$0x1] =	stream.indirect_vreg.gather [hbm4b:s1+s3], $0x80, v6, vm0, $0xb8;
	[tilespmem:$0x12480] =	vst v63  }
0x4d: {  	_ = 	snop  }
0x4e: {  	[tilespmem:s11], [sflag:$0x1] =	stream.indirect_vreg.gather [hbm4b:s1+s3], $0x80, v5, vm0, $0xb8;
	[tilespmem:$0x12480] =	vst v63  }
0x4f: {  	v5 =	vld [tilespmem:$0x40];
	_ =	sdelay $0x4  }
0x50: {  	v6 =	vshll.u32 v5, $0x1  }
0x51: {  	v5 =	vand.u32 $0x7, v5;
	v6 =	vand.u32 $0xFFFFFFF0, v6  }
0x52: {  	v5 =	vor.u32 v5, v6  }
0x53: {  	v6 =	vperm.xlane v5, v2;
	_ =	sdelay $0x1  }
0x54: {  	v5 =	vperm.xlane v5, v4;
	v6 =	vadd.s32 v3, v6;
	_ =	sdelay $0x1  }
0x55: {  	v5 =	vadd.s32 v3, v5;
	_ =	sdelay $0x2  }
0x56: {  	[tilespmem:s12], [sflag:$0x1] =	stream.indirect_vreg.gather [hbm4b:s1+s3], $0x80, v6, vm0, $0xb8;
	[tilespmem:$0x12480] =	vst v63  }
0x57: {  	_ = 	snop  }
0x58: {  	[tilespmem:s20], [sflag:$0x1] =	stream.indirect_vreg.gather [hbm4b:s1+s3], $0x80, v5, vm0, $0xb8;
	[tilespmem:$0x12480] =	vst v63  }
0x59: {  	v5 =	vld [tilespmem:$0x50];
	_ =	sdelay $0x4  }
0x5a: {  	v6 =	vshll.u32 v5, $0x1  }
0x5b: {  	v5 =	vand.u32 $0x7, v5;
	v6 =	vand.u32 $0xFFFFFFF0, v6  }
0x5c: {  	v5 =	vor.u32 v5, v6  }
0x5d: {  	v6 =	vperm.xlane v5, v2;
	_ =	sdelay $0x1  }
0x5e: {  	v5 =	vperm.xlane v5, v4;
	v6 =	vadd.s32 v3, v6;
	_ =	sdelay $0x1  }
0x5f: {  	v5 =	vadd.s32 v3, v5;
	_ =	sdelay $0x2  }
0x60: {  	[tilespmem:s13], [sflag:$0x1] =	stream.indirect_vreg.gather [hbm4b:s1+s3], $0x80, v6, vm0, $0xb8;
	[tilespmem:$0x12480] =	vst v63  }
0x61: {  	_ = 	snop  }
0x62: {  	[tilespmem:s21], [sflag:$0x1] =	stream.indirect_vreg.gather [hbm4b:s1+s3], $0x80, v5, vm0, $0xb8;
	[tilespmem:$0x12480] =	vst v63  }
0x63: {  	v5 =	vld [tilespmem:$0x60];
	_ =	sdelay $0x4  }
0x64: {  	v6 =	vshll.u32 v5, $0x1  }
0x65: {  	v5 =	vand.u32 $0x7, v5;
	v6 =	vand.u32 $0xFFFFFFF0, v6  }
0x66: {  	v5 =	vor.u32 v5, v6  }
0x67: {  	v6 =	vperm.xlane v5, v2;
	_ =	sdelay $0x1  }
0x68: {  	v5 =	vperm.xlane v5, v4;
	v6 =	vadd.s32 v3, v6;
	_ =	sdelay $0x1  }
0x69: {  	v5 =	vadd.s32 v3, v5;
	_ =	sdelay $0x2  }
0x6a: {  	[tilespmem:s22], [sflag:$0x1] =	stream.indirect_vreg.gather [hbm4b:s1+s3], $0x80, v6, vm0, $0xb8;
	[tilespmem:$0x12480] =	vst v63  }
0x6b: {  	_ = 	snop  }
0x6c: {  	[tilespmem:s23], [sflag:$0x1] =	stream.indirect_vreg.gather [hbm4b:s1+s3], $0x80, v5, vm0, $0xb8;
	[tilespmem:$0x12480] =	vst v63  }
0x6d: {  	v5 =	vld [tilespmem:$0x70];
	_ =	sdelay $0x4  }
0x6e: {  	v6 =	vshll.u32 v5, $0x1  }
0x6f: {  	v5 =	vand.u32 $0x7, v5;
	v6 =	vand.u32 $0xFFFFFFF0, v6  }
0x70: {  	v5 =	vor.u32 v5, v6  }
0x71: {  	v6 =	vperm.xlane v5, v2;
	_ =	sdelay $0x1  }
0x72: {  	v5 =	vperm.xlane v5, v4;
	v6 =	vadd.s32 v3, v6;
	_ =	sdelay $0x1  }
0x73: {  	v5 =	vadd.s32 v3, v5;
	_ =	sdelay $0x2  }
0x74: {  	[tilespmem:s24], [sflag:$0x1] =	stream.indirect_vreg.gather [hbm4b:s1+s3], $0x80, v6, vm0, $0xb8;
	[tilespmem:$0x12480] =	vst v63  }
0x75: {  	_ = 	snop  }
0x76: {  	[tilespmem:s25], [sflag:$0x1] =	stream.indirect_vreg.gather [hbm4b:s1+s3], $0x80, v5, vm0, $0xb8;
	[tilespmem:$0x12480] =	vst v63  }
0x77: {  	v5 =	vld [tilespmem:$0x80];
	_ =	sdelay $0x4  }
0x78: {  	v6 =	vshll.u32 v5, $0x1  }
0x79: {  	v5 =	vand.u32 $0x7, v5;
	v6 =	vand.u32 $0xFFFFFFF0, v6  }
0x7a: {  	v5 =	vor.u32 v5, v6  }
0x7b: {  	v6 =	vperm.xlane v5, v2;
	_ =	sdelay $0x1  }
0x7c: {  	v5 =	vperm.xlane v5, v4;
	v6 =	vadd.s32 v3, v6;
	_ =	sdelay $0x1  }
0x7d: {  	v5 =	vadd.s32 v3, v5;
	_ =	sdelay $0x2  }
0x7e: {  	[tilespmem:s28], [sflag:$0x2] =	stream.indirect_vreg.gather [hbm4b:s1+s3], $0x80, v6, vm0, $0xb8;
	[tilespmem:$0x12480] =	vst v63  }
0x7f: {  	s19 =	simm.s32 $0x8A00  }
0x80: {  	[tilespmem:s19], [sflag:$0x2] =	stream.indirect_vreg.gather [hbm4b:s1+s3], $0x80, v5, vm0, $0xb8;
	[tilespmem:$0x12480] =	vst v63  }
0x81: {  	v5 =	vld [tilespmem:$0x90];
	_ =	sdelay $0x4  }
0x82: {  	v6 =	vshll.u32 v5, $0x1  }
0x83: {  	v5 =	vand.u32 $0x7, v5;
	v6 =	vand.u32 $0xFFFFFFF0, v6  }
0x84: {  	v5 =	vor.u32 v5, v6  }
0x85: {  	v6 =	vperm.xlane v5, v2;
	_ =	sdelay $0x1  }
0x86: {  	v5 =	vperm.xlane v5, v4;
	v6 =	vadd.s32 v3, v6;
	_ =	sdelay $0x1  }
0x87: {  	v5 =	vadd.s32 v3, v5;
	_ =	sdelay $0x1  }
0x88: {  	s26 =	simm.s32 $0x9200  }
0x89: {  	[tilespmem:s26], [sflag:$0x2] =	stream.indirect_vreg.gather [hbm4b:s1+s3], $0x80, v6, vm0, $0xb8;
	[tilespmem:$0x12480] =	vst v63  }
0x8a: {  	s7 =	simm.s32 $0x9A00  }
0x8b: {  	[tilespmem:s7], [sflag:$0x2] =	stream.indirect_vreg.gather [hbm4b:s1+s3], $0x80, v5, vm0, $0xb8;
	[tilespmem:$0x12480] =	vst v63  }
0x8c: {  	v5 =	vld [tilespmem:$0xA0];
	_ =	sdelay $0x4  }
0x8d: {  	v6 =	vshll.u32 v5, $0x1  }
0x8e: {  	v5 =	vand.u32 $0x7, v5;
	v6 =	vand.u32 $0xFFFFFFF0, v6  }
0x8f: {  	v5 =	vor.u32 v5, v6  }
0x90: {  	v6 =	vperm.xlane v5, v2;
	_ =	sdelay $0x1  }
0x91: {  	v5 =	vperm.xlane v5, v4;
	v6 =	vadd.s32 v3, v6;
	_ =	sdelay $0x1  }
0x92: {  	v5 =	vadd.s32 v3, v5;
	_ =	sdelay $0x2  }
0x93: {  	[tilespmem:s30], [sflag:$0x2] =	stream.indirect_vreg.gather [hbm4b:s1+s3], $0x80, v6, vm0, $0xb8;
	[tilespmem:$0x12480] =	vst v63  }
0x94: {  	_ = 	snop  }
0x95: {  	[tilespmem:s31], [sflag:$0x2] =	stream.indirect_vreg.gather [hbm4b:s1+s3], $0x80, v5, vm0, $0xb8;
	[tilespmem:$0x12480] =	vst v63  }
0x96: {  	v5 =	vld [tilespmem:$0xB0];
	_ =	sdelay $0x4  }
0x97: {  	v6 =	vshll.u32 v5, $0x1  }
0x98: {  	v5 =	vand.u32 $0x7, v5;
	v6 =	vand.u32 $0xFFFFFFF0, v6  }
0x99: {  	v5 =	vor.u32 v5, v6  }
0x9a: {  	v6 =	vperm.xlane v5, v2;
	_ =	sdelay $0x1  }
0x9b: {  	v5 =	vperm.xlane v5, v4;
	v6 =	vadd.s32 v3, v6;
	_ =	sdelay $0x1  }
0x9c: {  	v5 =	vadd.s32 v3, v5;
	_ =	sdelay $0x1  }
0x9d: {  	s19 =	simm.s32 $0xB200  }
0x9e: {  	[tilespmem:s19], [sflag:$0x2] =	stream.indirect_vreg.gather [hbm4b:s1+s3], $0x80, v6, vm0, $0xb8;
	[tilespmem:$0x12480] =	vst v63  }
0x9f: {  	s26 =	simm.s32 $0xBA00  }
0xa0: {  	[tilespmem:s26], [sflag:$0x2] =	stream.indirect_vreg.gather [hbm4b:s1+s3], $0x80, v5, vm0, $0xb8;
	[tilespmem:$0x12480] =	vst v63  }
0xa1: {  	v5 =	vld [tilespmem:$0xC0];
	_ =	sdelay $0x4  }
0xa2: {  	v6 =	vshll.u32 v5, $0x1  }
0xa3: {  	v5 =	vand.u32 $0x7, v5;
	v6 =	vand.u32 $0xFFFFFFF0, v6  }
0xa4: {  	v5 =	vor.u32 v5, v6  }
0xa5: {  	v6 =	vperm.xlane v5, v2;
	_ =	sdelay $0x1  }
0xa6: {  	v5 =	vperm.xlane v5, v4;
	v6 =	vadd.s32 v3, v6;
	_ =	sdelay $0x1  }
0xa7: {  	v5 =	vadd.s32 v3, v5;
	_ =	sdelay $0x1  }
0xa8: {  	s7 =	simm.s32 $0xC200  }
0xa9: {  	[tilespmem:s7], [sflag:$0x2] =	stream.indirect_vreg.gather [hbm4b:s1+s3], $0x80, v6, vm0, $0xb8;
	[tilespmem:$0x12480] =	vst v63  }
0xaa: {  	s19 =	simm.s32 $0xCA00  }
0xab: {  	[tilespmem:s19], [sflag:$0x2] =	stream.indirect_vreg.gather [hbm4b:s1+s3], $0x80, v5, vm0, $0xb8;
	[tilespmem:$0x12480] =	vst v63  }
0xac: {  	v5 =	vld [tilespmem:$0xD0];
	_ =	sdelay $0x4  }
0xad: {  	v6 =	vshll.u32 v5, $0x1  }
0xae: {  	v5 =	vand.u32 $0x7, v5;
	v6 =	vand.u32 $0xFFFFFFF0, v6  }
0xaf: {  	v5 =	vor.u32 v5, v6  }
0xb0: {  	v6 =	vperm.xlane v5, v2;
	_ =	sdelay $0x1  }
0xb1: {  	v5 =	vperm.xlane v5, v4;
	v6 =	vadd.s32 v3, v6;
	_ =	sdelay $0x1  }
0xb2: {  	v5 =	vadd.s32 v3, v5;
	_ =	sdelay $0x1  }
0xb3: {  	s26 =	simm.s32 $0xD200  }
0xb4: {  	[tilespmem:s26], [sflag:$0x2] =	stream.indirect_vreg.gather [hbm4b:s1+s3], $0x80, v6, vm0, $0xb8;
	[tilespmem:$0x12480] =	vst v63  }
0xb5: {  	s7 =	simm.s32 $0xDA00  }
0xb6: {  	[tilespmem:s7], [sflag:$0x2] =	stream.indirect_vreg.gather [hbm4b:s1+s3], $0x80, v5, vm0, $0xb8;
	[tilespmem:$0x12480] =	vst v63  }
0xb7: {  	v5 =	vld [tilespmem:$0xE0];
	_ =	sdelay $0x4  }
0xb8: {  	v6 =	vshll.u32 v5, $0x1  }
0xb9: {  	v5 =	vand.u32 $0x7, v5;
	v6 =	vand.u32 $0xFFFFFFF0, v6  }
0xba: {  	v5 =	vor.u32 v5, v6  }
0xbb: {  	v6 =	vperm.xlane v5, v2;
	_ =	sdelay $0x1  }
0xbc: {  	v5 =	vperm.xlane v5, v4;
	v6 =	vadd.s32 v3, v6;
	_ =	sdelay $0x1  }
0xbd: {  	v5 =	vadd.s32 v3, v5;
	_ =	sdelay $0x1  }
0xbe: {  	s19 =	simm.s32 $0xE200  }
0xbf: {  	[tilespmem:s19], [sflag:$0x2] =	stream.indirect_vreg.gather [hbm4b:s1+s3], $0x80, v6, vm0, $0xb8;
	[tilespmem:$0x12480] =	vst v63  }
0xc0: {  	s26 =	simm.s32 $0xEA00  }
0xc1: {  	[tilespmem:s26], [sflag:$0x2] =	stream.indirect_vreg.gather [hbm4b:s1+s3], $0x80, v5, vm0, $0xb8;
	[tilespmem:$0x12480] =	vst v63  }
0xc2: {  	v5 =	vld [tilespmem:$0xF0];
	_ =	sdelay $0x4  }
0xc3: {  	v6 =	vshll.u32 v5, $0x1  }
0xc4: {  	v5 =	vand.u32 $0x7, v5;
	v6 =	vand.u32 $0xFFFFFFF0, v6  }
0xc5: {  	v5 =	vor.u32 v5, v6  }
0xc6: {  	v6 =	vperm.xlane v5, v2;
	_ =	sdelay $0x1  }
0xc7: {  	v5 =	vperm.xlane v5, v4;
	v6 =	vadd.s32 v3, v6;
	_ =	sdelay $0x1  }
0xc8: {  	v5 =	vadd.s32 v3, v5;
	_ =	sdelay $0x1  }
0xc9: {  	s7 =	simm.s32 $0xF200  }
0xca: {  	[tilespmem:s7], [sflag:$0x2] =	stream.indirect_vreg.gather [hbm4b:s1+s3], $0x80, v6, vm0, $0xb8;
	[tilespmem:$0x12480] =	vst v63  }
0xcb: {  	s19 =	simm.s32 $0xFA00;
	s7 =	simm.s32 $0x1  }
0xcc: {  	[tilespmem:s19], [sflag:$0x2] =	stream.indirect_vreg.gather [hbm4b:s1+s3], $0x80, v5, vm0, $0xb8;
	[tilespmem:$0x12480] =	vst v63  }
0xcd: {  	_ =	swait.ge [sflag:s7], $0x8000  }
0xce: {  	[sflag:s7] =	ssyncset.done $0x0  }
0xcf: {  	s19 =	simm.s32 $0x200;
	s26 =	rddreg [dreg:$0xa];
	[sflag:s7] =	ssyncadd.s32 $0xFFFF8000  }
0xd0: {  	[hbm4b:s26+s3] =	stream.linear.scatter [tilespmem:s19], [sflag:$0x3], $0x8000, $0x38;
	[tilespmem:$0x12480] =	vst v63  }
0xd1: {  	s26 =	rddreg [dreg:$0x4]  }
0xd2: {  	[spmem:s26] =	stream.indirect.scatter.add.f32 [tilespmem:s6], [sflag:$0x5], $0x1, s3, s2, $0xb8;
	[tilespmem:$0x12480] =	vst v63  }
0xd3: {  	_ =	swait.ge [sflag:s14], $0x80  }
0xd4: {  	[sflag:s14] =	ssyncset.done $0x0  }
0xd5: {  	[sflag:s14] =	ssyncadd.s32 $0xFFFFFF80  }
0xd6: {  	_ =	swait.ge [sflag:s15], $0x8000  }
0xd7: {  	[sflag:s15] =	ssyncset.done $0x0  }
0xd8: {  	[sflag:s15] =	ssyncadd.s32 $0xFFFF8000  }
0xd9: {  	v5 =	vld [tilespmem:$0x100];
	_ =	sdelay $0x4  }
0xda: {  	v6 =	vshll.u32 v5, $0x1  }
0xdb: {  	v5 =	vand.u32 $0x7, v5;
	v6 =	vand.u32 $0xFFFFFFF0, v6  }
0xdc: {  	v5 =	vor.u32 v5, v6  }
0xdd: {  	v6 =	vperm.xlane v5, v2;
	_ =	sdelay $0x1  }
0xde: {  	v5 =	vperm.xlane v5, v4;
	v6 =	vadd.s32 v3, v6;
	_ =	sdelay $0x1  }
0xdf: {  	v5 =	vadd.s32 v3, v5;
	_ =	sdelay $0x2  }
0xe0: {  	[tilespmem:s19], [sflag:$0x1] =	stream.indirect_vreg.gather [hbm4b:s1+s3], $0x80, v6, vm0, $0xb8;
	[tilespmem:$0x12480] =	vst v63  }
0xe1: {  	_ = 	snop  }
0xe2: {  	[tilespmem:s8], [sflag:$0x1] =	stream.indirect_vreg.gather [hbm4b:s1+s3], $0x80, v5, vm0, $0xb8;
	[tilespmem:$0x12480] =	vst v63  }
0xe3: {  	v5 =	vld [tilespmem:$0x110];
	_ =	sdelay $0x4  }
0xe4: {  	v6 =	vshll.u32 v5, $0x1  }
0xe5: {  	v5 =	vand.u32 $0x7, v5;
	v6 =	vand.u32 $0xFFFFFFF0, v6  }
0xe6: {  	v5 =	vor.u32 v5, v6  }
0xe7: {  	v6 =	vperm.xlane v5, v2;
	_ =	sdelay $0x1  }
0xe8: {  	v5 =	vperm.xlane v5, v4;
	v6 =	vadd.s32 v3, v6;
	_ =	sdelay $0x1  }
0xe9: {  	v5 =	vadd.s32 v3, v5;
	_ =	sdelay $0x2  }
0xea: {  	[tilespmem:s18], [sflag:$0x1] =	stream.indirect_vreg.gather [hbm4b:s1+s3], $0x80, v6, vm0, $0xb8;
	[tilespmem:$0x12480] =	vst v63  }
0xeb: {  	_ = 	snop  }
0xec: {  	[tilespmem:s9], [sflag:$0x1] =	stream.indirect_vreg.gather [hbm4b:s1+s3], $0x80, v5, vm0, $0xb8;
	[tilespmem:$0x12480] =	vst v63  }
0xed: {  	v5 =	vld [tilespmem:$0x120];
	_ =	sdelay $0x4  }
0xee: {  	v6 =	vshll.u32 v5, $0x1  }
0xef: {  	v5 =	vand.u32 $0x7, v5;
	v6 =	vand.u32 $0xFFFFFFF0, v6  }
0xf0: {  	v5 =	vor.u32 v5, v6  }
0xf1: {  	v6 =	vperm.xlane v5, v2;
	_ =	sdelay $0x1  }
0xf2: {  	v5 =	vperm.xlane v5, v4;
	v6 =	vadd.s32 v3, v6;
	_ =	sdelay $0x1  }
0xf3: {  	v5 =	vadd.s32 v3, v5;
	_ =	sdelay $0x2  }
0xf4: {  	[tilespmem:s16], [sflag:$0x1] =	stream.indirect_vreg.gather [hbm4b:s1+s3], $0x80, v6, vm0, $0xb8;
	[tilespmem:$0x12480] =	vst v63  }
0xf5: {  	_ = 	snop  }
0xf6: {  	[tilespmem:s17], [sflag:$0x1] =	stream.indirect_vreg.gather [hbm4b:s1+s3], $0x80, v5, vm0, $0xb8;
	[tilespmem:$0x12480] =	vst v63  }
0xf7: {  	v5 =	vld [tilespmem:$0x130];
	_ =	sdelay $0x4  }
0xf8: {  	v6 =	vshll.u32 v5, $0x1  }
0xf9: {  	v5 =	vand.u32 $0x7, v5;
	v6 =	vand.u32 $0xFFFFFFF0, v6  }
0xfa: {  	v5 =	vor.u32 v5, v6  }
0xfb: {  	v6 =	vperm.xlane v5, v2;
	_ =	sdelay $0x1  }
0xfc: {  	v5 =	vperm.xlane v5, v4;
	v6 =	vadd.s32 v3, v6;
	_ =	sdelay $0x1  }
0xfd: {  	v5 =	vadd.s32 v3, v5;
	_ =	sdelay $0x2  }
0xfe: {  	[tilespmem:s10], [sflag:$0x1] =	stream.indirect_vreg.gather [hbm4b:s1+s3], $0x80, v6, vm0, $0xb8;
	[tilespmem:$0x12480] =	vst v63  }
0xff: {  	_ = 	snop  }
0x100: {  	[tilespmem:s11], [sflag:$0x1] =	stream.indirect_vreg.gather [hbm4b:s1+s3], $0x80, v5, vm0, $0xb8;
	[tilespmem:$0x12480] =	vst v63  }
0x101: {  	v5 =	vld [tilespmem:$0x140];
	_ =	sdelay $0x4  }
0x102: {  	v6 =	vshll.u32 v5, $0x1  }
0x103: {  	v5 =	vand.u32 $0x7, v5;
	v6 =	vand.u32 $0xFFFFFFF0, v6  }
0x104: {  	v5 =	vor.u32 v5, v6  }
0x105: {  	v6 =	vperm.xlane v5, v2;
	_ =	sdelay $0x1  }
0x106: {  	v5 =	vperm.xlane v5, v4;
	v6 =	vadd.s32 v3, v6;
	_ =	sdelay $0x1  }
0x107: {  	v5 =	vadd.s32 v3, v5;
	_ =	sdelay $0x2  }
0x108: {  	[tilespmem:s12], [sflag:$0x1] =	stream.indirect_vreg.gather [hbm4b:s1+s3], $0x80, v6, vm0, $0xb8;
	[tilespmem:$0x12480] =	vst v63  }
0x109: {  	_ = 	snop  }
0x10a: {  	[tilespmem:s20], [sflag:$0x1] =	stream.indirect_vreg.gather [hbm4b:s1+s3], $0x80, v5, vm0, $0xb8;
	[tilespmem:$0x12480] =	vst v63  }
0x10b: {  	v5 =	vld [tilespmem:$0x150];
	_ =	sdelay $0x4  }
0x10c: {  	v6 =	vshll.u32 v5, $0x1  }
0x10d: {  	v5 =	vand.u32 $0x7, v5;
	v6 =	vand.u32 $0xFFFFFFF0, v6  }
0x10e: {  	v5 =	vor.u32 v5, v6  }
0x10f: {  	v6 =	vperm.xlane v5, v2;
	_ =	sdelay $0x1  }
0x110: {  	v5 =	vperm.xlane v5, v4;
	v6 =	vadd.s32 v3, v6;
	_ =	sdelay $0x1  }
0x111: {  	v5 =	vadd.s32 v3, v5;
	_ =	sdelay $0x2  }
0x112: {  	[tilespmem:s13], [sflag:$0x1] =	stream.indirect_vreg.gather [hbm4b:s1+s3], $0x80, v6, vm0, $0xb8;
	[tilespmem:$0x12480] =	vst v63  }
0x113: {  	_ = 	snop  }
0x114: {  	[tilespmem:s21], [sflag:$0x1] =	stream.indirect_vreg.gather [hbm4b:s1+s3], $0x80, v5, vm0, $0xb8;
	[tilespmem:$0x12480] =	vst v63  }
0x115: {  	v5 =	vld [tilespmem:$0x160];
	_ =	sdelay $0x4  }
0x116: {  	v6 =	vshll.u32 v5, $0x1  }
0x117: {  	v5 =	vand.u32 $0x7, v5;
	v6 =	vand.u32 $0xFFFFFFF0, v6  }
0x118: {  	v5 =	vor.u32 v5, v6  }
0x119: {  	v6 =	vperm.xlane v5, v2;
	_ =	sdelay $0x1  }
0x11a: {  	v5 =	vperm.xlane v5, v4;
	v6 =	vadd.s32 v3, v6;
	_ =	sdelay $0x1  }
0x11b: {  	v5 =	vadd.s32 v3, v5;
	_ =	sdelay $0x2  }
0x11c: {  	[tilespmem:s22], [sflag:$0x1] =	stream.indirect_vreg.gather [hbm4b:s1+s3], $0x80, v6, vm0, $0xb8;
	[tilespmem:$0x12480] =	vst v63  }
0x11d: {  	_ = 	snop  }
0x11e: {  	[tilespmem:s23], [sflag:$0x1] =	stream.indirect_vreg.gather [hbm4b:s1+s3], $0x80, v5, vm0, $0xb8;
	[tilespmem:$0x12480] =	vst v63  }
0x11f: {  	v5 =	vld [tilespmem:$0x170];
	_ =	sdelay $0x4  }
0x120: {  	v6 =	vshll.u32 v5, $0x1  }
0x121: {  	v5 =	vand.u32 $0x7, v5;
	v6 =	vand.u32 $0xFFFFFFF0, v6  }
0x122: {  	v5 =	vor.u32 v5, v6  }
0x123: {  	v6 =	vperm.xlane v5, v2;
	_ =	sdelay $0x1  }
0x124: {  	v5 =	vperm.xlane v5, v4;
	v6 =	vadd.s32 v3, v6;
	_ =	sdelay $0x1  }
0x125: {  	v5 =	vadd.s32 v3, v5;
	_ =	sdelay $0x2  }
0x126: {  	[tilespmem:s24], [sflag:$0x1] =	stream.indirect_vreg.gather [hbm4b:s1+s3], $0x80, v6, vm0, $0xb8;
	[tilespmem:$0x12480] =	vst v63  }
0x127: {  	s8 =	simm.s32 $0x2  }
0x128: {  	[tilespmem:s25], [sflag:$0x1] =	stream.indirect_vreg.gather [hbm4b:s1+s3], $0x80, v5, vm0, $0xb8;
	[tilespmem:$0x12480] =	vst v63  }
0x129: {  	_ =	swait.ge [sflag:s8], $0x8000  }
0x12a: {  	[sflag:s8] =	ssyncset.done $0x0  }
0x12b: {  	s9 =	rddreg [dreg:$0xb];
	[sflag:s8] =	ssyncadd.s32 $0xFFFF8000  }
0x12c: {  	[hbm4b:s9+s3] =	stream.linear.scatter [tilespmem:s28], [sflag:$0x4], $0x8000, $0x38;
	[tilespmem:$0x12480] =	vst v63  }
0x12d: {  	_ = 	snop  }
0x12e: {  	[spmem:s26] =	stream.indirect.scatter.add.f32 [tilespmem:s6], [sflag:$0x5], $0x1, s2, s2, $0xb8;
	[tilespmem:$0x12480] =	vst v63  }
0x12f: {  	_ =	swait.ge [sflag:s14], $0x80  }
0x130: {  	[sflag:s14] =	ssyncset.done $0x0  }
0x131: {  	s9 =	simm.s32 $0x4;
	[sflag:s14] =	ssyncadd.s32 $0xFFFFFF80  }
0x132: {  	_ =	swait.ge [sflag:s9], $0x8000  }
0x133: {  	[sflag:s9] =	ssyncset.done $0x0  }
0x134: {  	[sflag:s9] =	ssyncadd.s32 $0xFFFF8000  }
0x135: {  	v5 =	vld [tilespmem:$0x180];
	_ =	sdelay $0x4  }
0x136: {  	v6 =	vshll.u32 v5, $0x1  }
0x137: {  	v5 =	vand.u32 $0x7, v5;
	v6 =	vand.u32 $0xFFFFFFF0, v6  }
0x138: {  	v5 =	vor.u32 v5, v6  }
0x139: {  	v6 =	vperm.xlane v5, v2;
	_ =	sdelay $0x1  }
0x13a: {  	v5 =	vperm.xlane v5, v4;
	v6 =	vadd.s32 v3, v6;
	_ =	sdelay $0x1  }
0x13b: {  	v5 =	vadd.s32 v3, v5;
	_ =	sdelay $0x2  }
0x13c: {  	[tilespmem:s28], [sflag:$0x2] =	stream.indirect_vreg.gather [hbm4b:s1+s3], $0x80, v6, vm0, $0xb8;
	[tilespmem:$0x12480] =	vst v63  }
0x13d: {  	s18 =	simm.s32 $0x8A00  }
0x13e: {  	[tilespmem:s18], [sflag:$0x2] =	stream.indirect_vreg.gather [hbm4b:s1+s3], $0x80, v5, vm0, $0xb8;
	[tilespmem:$0x12480] =	vst v63  }
0x13f: {  	v5 =	vld [tilespmem:$0x190];
	_ =	sdelay $0x4  }
0x140: {  	v6 =	vshll.u32 v5, $0x1  }
0x141: {  	v5 =	vand.u32 $0x7, v5;
	v6 =	vand.u32 $0xFFFFFFF0, v6  }
0x142: {  	v5 =	vor.u32 v5, v6  }
0x143: {  	v6 =	vperm.xlane v5, v2;
	_ =	sdelay $0x1  }
0x144: {  	v5 =	vperm.xlane v5, v4;
	v6 =	vadd.s32 v3, v6;
	_ =	sdelay $0x1  }
0x145: {  	v5 =	vadd.s32 v3, v5;
	_ =	sdelay $0x1  }
0x146: {  	s18 =	simm.s32 $0x9200  }
0x147: {  	[tilespmem:s18], [sflag:$0x2] =	stream.indirect_vreg.gather [hbm4b:s1+s3], $0x80, v6, vm0, $0xb8;
	[tilespmem:$0x12480] =	vst v63  }
0x148: {  	s18 =	simm.s32 $0x9A00  }
0x149: {  	[tilespmem:s18], [sflag:$0x2] =	stream.indirect_vreg.gather [hbm4b:s1+s3], $0x80, v5, vm0, $0xb8;
	[tilespmem:$0x12480] =	vst v63  }
0x14a: {  	v5 =	vld [tilespmem:$0x1A0];
	_ =	sdelay $0x4  }
0x14b: {  	v6 =	vshll.u32 v5, $0x1  }
0x14c: {  	v5 =	vand.u32 $0x7, v5;
	v6 =	vand.u32 $0xFFFFFFF0, v6  }
0x14d: {  	v5 =	vor.u32 v5, v6  }
0x14e: {  	v6 =	vperm.xlane v5, v2;
	_ =	sdelay $0x1  }
0x14f: {  	v5 =	vperm.xlane v5, v4;
	v6 =	vadd.s32 v3, v6;
	_ =	sdelay $0x1  }
0x150: {  	v5 =	vadd.s32 v3, v5;
	_ =	sdelay $0x2  }
0x151: {  	[tilespmem:s30], [sflag:$0x2] =	stream.indirect_vreg.gather [hbm4b:s1+s3], $0x80, v6, vm0, $0xb8;
	[tilespmem:$0x12480] =	vst v63  }
0x152: {  	_ = 	snop  }
0x153: {  	[tilespmem:s31], [sflag:$0x2] =	stream.indirect_vreg.gather [hbm4b:s1+s3], $0x80, v5, vm0, $0xb8;
	[tilespmem:$0x12480] =	vst v63  }
0x154: {  	v5 =	vld [tilespmem:$0x1B0];
	_ =	sdelay $0x4  }
0x155: {  	v6 =	vshll.u32 v5, $0x1  }
0x156: {  	v5 =	vand.u32 $0x7, v5;
	v6 =	vand.u32 $0xFFFFFFF0, v6  }
0x157: {  	v5 =	vor.u32 v5, v6  }
0x158: {  	v6 =	vperm.xlane v5, v2;
	_ =	sdelay $0x1  }
0x159: {  	v5 =	vperm.xlane v5, v4;
	v6 =	vadd.s32 v3, v6;
	_ =	sdelay $0x1  }
0x15a: {  	v5 =	vadd.s32 v3, v5;
	_ =	sdelay $0x1  }
0x15b: {  	s18 =	simm.s32 $0xB200  }
0x15c: {  	[tilespmem:s18], [sflag:$0x2] =	stream.indirect_vreg.gather [hbm4b:s1+s3], $0x80, v6, vm0, $0xb8;
	[tilespmem:$0x12480] =	vst v63  }
0x15d: {  	s18 =	simm.s32 $0xBA00  }
0x15e: {  	[tilespmem:s18], [sflag:$0x2] =	stream.indirect_vreg.gather [hbm4b:s1+s3], $0x80, v5, vm0, $0xb8;
	[tilespmem:$0x12480] =	vst v63  }
0x15f: {  	v5 =	vld [tilespmem:$0x1C0];
	_ =	sdelay $0x4  }
0x160: {  	v6 =	vshll.u32 v5, $0x1  }
0x161: {  	v5 =	vand.u32 $0x7, v5;
	v6 =	vand.u32 $0xFFFFFFF0, v6  }
0x162: {  	v5 =	vor.u32 v5, v6  }
0x163: {  	v6 =	vperm.xlane v5, v2;
	_ =	sdelay $0x1  }
0x164: {  	v5 =	vperm.xlane v5, v4;
	v6 =	vadd.s32 v3, v6;
	_ =	sdelay $0x1  }
0x165: {  	v5 =	vadd.s32 v3, v5;
	_ =	sdelay $0x1  }
0x166: {  	s18 =	simm.s32 $0xC200  }
0x167: {  	[tilespmem:s18], [sflag:$0x2] =	stream.indirect_vreg.gather [hbm4b:s1+s3], $0x80, v6, vm0, $0xb8;
	[tilespmem:$0x12480] =	vst v63  }
0x168: {  	s18 =	simm.s32 $0xCA00  }
0x169: {  	[tilespmem:s18], [sflag:$0x2] =	stream.indirect_vreg.gather [hbm4b:s1+s3], $0x80, v5, vm0, $0xb8;
	[tilespmem:$0x12480] =	vst v63  }
0x16a: {  	v5 =	vld [tilespmem:$0x1D0];
	_ =	sdelay $0x4  }
0x16b: {  	v6 =	vshll.u32 v5, $0x1  }
0x16c: {  	v5 =	vand.u32 $0x7, v5;
	v6 =	vand.u32 $0xFFFFFFF0, v6  }
0x16d: {  	v5 =	vor.u32 v5, v6  }
0x16e: {  	v6 =	vperm.xlane v5, v2;
	_ =	sdelay $0x1  }
0x16f: {  	v5 =	vperm.xlane v5, v4;
	v6 =	vadd.s32 v3, v6;
	_ =	sdelay $0x1  }
0x170: {  	v5 =	vadd.s32 v3, v5;
	_ =	sdelay $0x1  }
0x171: {  	s18 =	simm.s32 $0xD200  }
0x172: {  	[tilespmem:s18], [sflag:$0x2] =	stream.indirect_vreg.gather [hbm4b:s1+s3], $0x80, v6, vm0, $0xb8;
	[tilespmem:$0x12480] =	vst v63  }
0x173: {  	s18 =	simm.s32 $0xDA00  }
0x174: {  	[tilespmem:s18], [sflag:$0x2] =	stream.indirect_vreg.gather [hbm4b:s1+s3], $0x80, v5, vm0, $0xb8;
	[tilespmem:$0x12480] =	vst v63  }
0x175: {  	v5 =	vld [tilespmem:$0x1E0];
	_ =	sdelay $0x4  }
0x176: {  	v6 =	vshll.u32 v5, $0x1  }
0x177: {  	v5 =	vand.u32 $0x7, v5;
	v6 =	vand.u32 $0xFFFFFFF0, v6  }
0x178: {  	v5 =	vor.u32 v5, v6  }
0x179: {  	v6 =	vperm.xlane v5, v2;
	_ =	sdelay $0x1  }
0x17a: {  	v5 =	vperm.xlane v5, v4;
	v6 =	vadd.s32 v3, v6;
	_ =	sdelay $0x1  }
0x17b: {  	v5 =	vadd.s32 v3, v5;
	_ =	sdelay $0x1  }
0x17c: {  	s18 =	simm.s32 $0xE200  }
0x17d: {  	[tilespmem:s18], [sflag:$0x2] =	stream.indirect_vreg.gather [hbm4b:s1+s3], $0x80, v6, vm0, $0xb8;
	[tilespmem:$0x12480] =	vst v63  }
0x17e: {  	s18 =	simm.s32 $0xEA00  }
0x17f: {  	[tilespmem:s18], [sflag:$0x2] =	stream.indirect_vreg.gather [hbm4b:s1+s3], $0x80, v5, vm0, $0xb8;
	[tilespmem:$0x12480] =	vst v63  }
0x180: {  	v5 =	vld [tilespmem:$0x1F0];
	_ =	sdelay $0x4  }
0x181: {  	v6 =	vshll.u32 v5, $0x1  }
0x182: {  	v5 =	vand.u32 $0x7, v5;
	v6 =	vand.u32 $0xFFFFFFF0, v6  }
0x183: {  	v5 =	vor.u32 v5, v6  }
0x184: {  	v6 =	vperm.xlane v5, v2;
	_ =	sdelay $0x1  }
0x185: {  	v5 =	vperm.xlane v5, v4;
	v6 =	vadd.s32 v3, v6;
	_ =	sdelay $0x1  }
0x186: {  	v5 =	vadd.s32 v3, v5;
	_ =	sdelay $0x1  }
0x187: {  	s18 =	simm.s32 $0xF200  }
0x188: {  	[tilespmem:s18], [sflag:$0x2] =	stream.indirect_vreg.gather [hbm4b:s1+s3], $0x80, v6, vm0, $0xb8;
	[tilespmem:$0x12480] =	vst v63  }
0x189: {  	s18 =	simm.s32 $0xFA00  }
0x18a: {  	[tilespmem:s18], [sflag:$0x2] =	stream.indirect_vreg.gather [hbm4b:s1+s3], $0x80, v5, vm0, $0xb8;
	[tilespmem:$0x12480] =	vst v63  }
0x18b: {  	_ =	swait.ge [sflag:s7], $0x8000  }
0x18c: {  	[sflag:s7] =	ssyncset.done $0x0  }
0x18d: {  	s19 =	simm.s32 $0x200;
	s18 =	rddreg [dreg:$0xc];
	[sflag:s7] =	ssyncadd.s32 $0xFFFF8000  }
0x18e: {  	[hbm4b:s18+s3] =	stream.linear.scatter [tilespmem:s19], [sflag:$0x3], $0x8000, $0x38;
	[tilespmem:$0x12480] =	vst v63  }
0x18f: {  	_ = 	snop  }
0x190: {  	[spmem:s26] =	stream.indirect.scatter.add.f32 [tilespmem:s6], [sflag:$0x5], $0x1, s5, s2, $0xb8;
	[tilespmem:$0x12480] =	vst v63  }
0x191: {  	_ =	swait.ge [sflag:s14], $0x80  }
0x192: {  	[sflag:s14] =	ssyncset.done $0x0  }
0x193: {  	[sflag:s14] =	ssyncadd.s32 $0xFFFFFF80  }
0x194: {  	_ =	swait.ge [sflag:s8], $0x8000  }
0x195: {  	[sflag:s8] =	ssyncset.done $0x0  }
0x196: {  	s19 =	rddreg [dreg:$0xd];
	[sflag:s8] =	ssyncadd.s32 $0xFFFF8000  }
0x197: {  	[hbm4b:s19+s3] =	stream.linear.scatter [tilespmem:s28], [sflag:$0x4], $0x8000, $0x38;
	[tilespmem:$0x12480] =	vst v63  }
0x198: {  	_ = 	snop  }
0x199: {  	[spmem:s26] =	stream.indirect.scatter.add.f32 [tilespmem:s6], [sflag:$0x5], $0x1, s29, s2, $0xb8;
	[tilespmem:$0x12480] =	vst v63  }
0x19a: {  	_ =	swait.ge [sflag:s14], $0x80  }
0x19b: {  	[sflag:s14] =	ssyncset.done $0x0  }
0x19c: {  	[sflag:s14] =	ssyncadd.s32 $0xFFFFFF80  }
0x19d: {  	_ =	swait.ge [sflag:s15], $0x8000  }
0x19e: {  	[sflag:s15] =	ssyncset.done $0x0  }
0x19f: {  	[sflag:s15] =	ssyncadd.s32 $0xFFFF8000  }
0x1a0: {  	_ =	swait.ge [sflag:s9], $0x8000  }
0x1a1: {  	[sflag:s9] =	ssyncset.done $0x0  }
0x1a2: {  	[sflag:s9] =	ssyncadd.s32 $0xFFFF8000  }
0x1a3: {  	s4 =	simm.s32 @!p0 $0x10280;
	s18 =	simm.s32 @!p0 $0x5;
	[bflag:$0x0] =	sbarrier.arrive $0xFFFF  }
0x1a4: {  	[tilespmem:s4], [sflag:$0x5] =	stream.linear.gather @!p0 [spmem:s26], $0x2000, $0x38;
	[tilespmem:$0x12480] =	vst v63  }
0x1a5: {  	_ =	swait.ge @!p0 [sflag:s18], $0x2000  }
0x1a6: {  	s7 =	simm.s32 @!p0 $0x100;
	[sflag:s18] =	ssyncset.done @!p0 $0x0  }
0x1a7: {  	s5 =	simm.s32 @!p0 $0x80;
	s8 =	rddreg [dreg:$0xe];
	[sflag:s18] =	ssyncadd.s32 @!p0 $0xFFFFE000  }
0x1a8: {  	[hbm4b:s8+s5] =	stream.strided.scatter @!p0 [tilespmem:s4], [sflag:$0x5], $0x2000, s7, s5, $0x38;
	[tilespmem:$0x12480] =	vst v63  }
0x1a9: {  	_ =	swait.ge @!p0 [sflag:s18], $0x2000  }
0x1aa: {  	s0 =	sadd.s32 $0x1, s0;
	s26 =	rddreg [dreg:$0xf]  }
0x1ab: {  	p1 =	sne.s32 s0, s26  }
.Ltmp1:
0x1ac: {  	_ = 	snop;
	(pc) =	sbr.rel @!p1 .LBB2_6-.Ltmp1, $3  }
0x1ad: {  	_ =	sdelay $0x1  }
0x1ae: {  	s29 =	simm.s32 $0x180;
	[sflag:s18] =	ssyncset.done @!p0 $0x0  }
0x1af: {  	s2 =	simm.s32 $0x80;
	s5 =	simm.s32 $0x100;
	[sflag:s18] =	ssyncadd.s32 @!p0 $0xFFFFE000  }
.LBB2_1:
0x1b0: {  	s4 =	rddreg [dreg:$0x6]  }
0x1b1: {  	[tilespmem:s3], [sflag:$0x5] =	stream.linear.gather [hbm4b:s4+s3], $0x80, $0x38;
	[tilespmem:$0x12480] =	vst v63  }
0x1b2: {  	_ =	swait.ge [sflag:s14], $0x80  }
0x1b3: {  	[sflag:s14] =	ssyncset.done $0x0  }
0x1b4: {  	s18 =	rddreg [dreg:$0x7];
	[sflag:s14] =	ssyncadd.s32 $0xFFFFFF80  }
0x1b5: {  	[tilespmem:s2], [sflag:$0x5] =	stream.linear.gather [hbm4b:s18+s3], $0x80, $0x38;
	[tilespmem:$0x12480] =	vst v63  }
0x1b6: {  	_ =	swait.ge [sflag:s14], $0x80  }
0x1b7: {  	[sflag:s14] =	ssyncset.done $0x0  }
0x1b8: {  	s19 =	rddreg [dreg:$0x8];
	[sflag:s14] =	ssyncadd.s32 $0xFFFFFF80  }
0x1b9: {  	[tilespmem:s5], [sflag:$0x5] =	stream.linear.gather [hbm4b:s19+s3], $0x80, $0x38;
	[tilespmem:$0x12480] =	vst v63  }
0x1ba: {  	_ =	swait.ge [sflag:s14], $0x80  }
0x1bb: {  	[sflag:s14] =	ssyncset.done $0x0  }
.Ltmp2:
0x1bc: {  	s26 =	rddreg [dreg:$0x9];
	[sflag:s14] =	ssyncadd.s32 $0xFFFFFF80;
	(pc) =	sbr.rel @p0 .LBB2_5-.Ltmp2, $4  }
0x1bd: {  	[tilespmem:s29], [sflag:$0x5] =	stream.linear.gather [hbm4b:s26+s3], $0x80, $0x38;
	[tilespmem:$0x12480] =	vst v63  }
0x1be: {  	_ =	swait.ge [sflag:s14], $0x80  }
0x1bf: {  	[sflag:s14] =	ssyncset.done $0x0  }
0x1c0: {  	s2 =	simm.s32 $0x80;
	[sflag:s14] =	ssyncadd.s32 $0xFFFFFF80  }
0x1c1: {  	s18 =	simm.s32 $0x40;
	s4 =	simm.s32 $0x0  }
.LBB2_3:
0x1c2: {  	p1 =	sne.s32 s18, $0x7FC0;
	[tilespmem:s4+$0x10280] =	vst v0;
	s4 =	smov.u32 s18;
	s18 =	sadd.s32 $0x40, s18  }
.Ltmp3:
0x1c3: {  	(pc) =	sbr.rel @p1 .LBB2_3-.Ltmp3, $2  }
0x1c4: {  	_ =	sdelay $0x2  }
0x1c5: {  	s4 =	sshra.s32 s4, $0x2  }
.Ltmp4:
0x1c6: {  	[tilespmem:s4+$0x10280] =	vst v0;
	s26 =	simm.s32 $0x10280;
	s2 =	rddreg [dreg:$0x4];
	(pc) =	sbr.rel .LBB2_5-.Ltmp4, $4  }
0x1c7: {  	[spmem:s2] =	stream.linear.scatter [tilespmem:s26], [sflag:$0x5], $0x2000, $0x38;
	[tilespmem:$0x12480] =	vst v63  }
0x1c8: {  	_ =	swait.ge [sflag:s14], $0x2000  }
0x1c9: {  	[sflag:s14] =	ssyncset.done $0x0  }
0x1ca: {  	s2 =	simm.s32 $0x80;
	[sflag:s14] =	ssyncadd.s32 $0xFFFFE000  }
.LBB2_6:
0x1cb: {  	_ =	sfence.sel $0x180000  }
0x1cc: {  	[bflag:$0x0] =	sbarrier.arrive $0xFFFF  }
0x1cd: {  	_ =	strace $0x90000047  }
0x1ce: {  	[bflag:$0x2] =	sbarrier.arrive $0xFFFF  }
0x1cf: {  	s0 =	rddreg [dreg:$0x5]  }
0x1d0: {  	s0 =	sadd.s32 @!p0 $0x100000, s0  }
0x1d1: {  	[sflag:s0] =	ssyncadd.tile.s32 @!p0 $0x1;
	_ =	shalt  }
.Lfunc_end2:
_tile_overlayer_lowered:
.L_overlay_start_2:
0x1d2: {  	(tag) =	ssettag $0x2  }
0x1d3: {  	s0 =	rddreg [dreg:$0x0];
	s2 =	stileid.u32  }
0x1d4: {  	s1 =	rddreg [dreg:$0x1];
	p0 =	sne.s32 s2, $0x0  }
0x1d5: {  	s3 =	rddreg [dreg:$0x2];
	[bflag:$0x3] =	sbarrier.arrive $0xFFFF;
	s2 =	simm.s32 @!p0 $0x1C05  }
0x1d6: {  	[timem:s3], [sflag:s2] =	dma.local @!p0 [hbm:s0], s1  }
0x1d7: {  	s0 =	simm.s32 @!p0 $0x5  }
0x1d8: {  	_ =	swait.ge @!p0 [sflag:s0], s1  }
0x1d9: {  	s1 =	ssub.s32 @!p0 $0x0, s1;
	[sflag:s0] =	ssyncset.done @!p0 $0x0  }
0x1da: {  	[sflag:s0] =	ssyncadd.s32 @!p0 s1  }
0x1db: {  	[bflag:$0x3] =	sbarrier.arrive $0xFFFF  }
0x1dc: {  	_ =	shalt  }

</sc_bundles>
